<compile_context>
chip_gen: v7x
topology: tpu7x:2x2x1
jax: 0.10.2.dev20260603
libtpu: 0.0.44.dev20260713+nightly
codegen_flags: <defaults>
</compile_context>

<pallas_src>
import functools

import jax
import jax.numpy as jnp
from jax import lax
from jax.experimental import pallas as pl
from jax.experimental.pallas import tpu as pltpu
from jax.experimental.pallas import tpu_sc as plsc

_B = 4
_N = 4096
_C = 128
_K = 16
_EPS = 1e-5
_BN = _B * _N
_BNK = _BN * _K
_PB = 128
_RB = _PB * _K
_NSTEP = _BN // _PB
_NB1 = 512
_NB2 = 512
_INTERPRET = False


def _qkv_body(x_ref, w3_ref, b3_ref, q_ref, k_ref, v_ref):
    xb = x_ref[0]
    for j, out in enumerate((q_ref, k_ref, v_ref)):
        w = w3_ref[j]
        r = lax.dot_general(xb, w, (((0,), (1,)), ((), ())),
                            preferred_element_type=jnp.float32)
        r = r + b3_ref[pl.ds(j, 1)]
        out[0] = r


def _qkv(x, W3, b3):
    grid = (_B, _N // _NB1)
    outf = jax.ShapeDtypeStruct((_B, _N, _C), jnp.float32)
    q, k, v = pl.pallas_call(
        _qkv_body,
        grid=grid,
        in_specs=[
            pl.BlockSpec((1, _C, _NB1), lambda b, i: (b, 0, i)),
            pl.BlockSpec((3, _C, _C), lambda b, i: (0, 0, 0)),
            pl.BlockSpec((3, _C), lambda b, i: (0, 0)),
        ],
        out_specs=[pl.BlockSpec((1, _NB1, _C), lambda b, i: (b, i, 0))] * 3,
        out_shape=[outf] * 3,
        interpret=_INTERPRET,
    )(x, W3, b3)
    return q, k, v


def _knn_body(pall_ref, prow_ref, idx_ref):
    b = pl.program_id(0)
    pa = pall_ref[0]
    pb = prow_ref[0]
    sqa = jnp.sum(pa * pa, axis=1)
    sqb = jnp.sum(pb * pb, axis=1)
    dot = lax.dot_general(pb.astype(jnp.bfloat16), pa.astype(jnp.bfloat16),
                          (((1,), (1,)), ((), ())),
                          preferred_element_type=jnp.float32)
    d = (sqb[:, None] + sqa[None, :]) - 2.0 * dot
    d = jnp.maximum(d, 0.0)
    ik = lax.bitcast_convert_type(d, jnp.int32)
    lane = lax.broadcasted_iota(jnp.int32, (_NB2, _N), 1)
    ik = (ik & jnp.int32(-32)) | (lane >> 7)
    big = jnp.int32(2**31 - 1)
    off = (b * _N).astype(jnp.int32)
    M = ik.reshape(_NB2, 32, 128)
    res = []
    for t in range(4):
        r = M
        for w in (16, 8, 4, 2, 1):
            r = jnp.minimum(r[:, :w, :], r[:, w:2 * w, :])
        res.append(r.reshape(_NB2, 128))
        if t < 3:
            M = jnp.where(M == r, big, M)
    R = jnp.concatenate(res, axis=1)
    lane384 = lax.broadcasted_iota(jnp.int32, (_NB2, 512), 1)
    cols = []
    for _ in range(_K):
        m = jnp.min(R, axis=1)
        hit = R == m[:, None]
        lsel = jnp.min(jnp.where(hit, lane384, big), axis=1)
        cols.append(((m & 31) << 7) + (lsel & 127) + off)
        R = jnp.where(hit & (lane384 == lsel[:, None]), big, R)
    idx_ref[0] = jnp.stack(cols, axis=1)


def _knn(pp3):
    grid = (_B, _N // _NB2)
    return pl.pallas_call(
        _knn_body,
        grid=grid,
        in_specs=[
            pl.BlockSpec((1, _N, 16), lambda b, i: (b, 0, 0)),
            pl.BlockSpec((1, _NB2, 16), lambda b, i: (b, i, 0)),
        ],
        out_specs=pl.BlockSpec((1, _NB2, _K), lambda b, i: (b, i, 0)),
        out_shape=jax.ShapeDtypeStruct((_B, _N, _K), jnp.int32),
        interpret=_INTERPRET,
    )(pp3, pp3)


_NW = 32
_CHROWS = (_BNK // 128) // _NW


def _sc_gather_body(kt_ref, vt_ref, pp_ref, idx_ref,
                    nk_ref, nv_ref, gp_ref,
                    idxall, bk, bv, bp,
                    semk0, semk1, semv0, semv1, semp0, semp1):
    info = plsc.get_sparse_core_info()
    nc = info.num_cores
    wid = lax.axis_index("s") * nc + lax.axis_index("c")
    base = wid * _CHROWS
    pltpu.sync_copy(idx_ref.at[pl.ds(base, _CHROWS)], idxall)
    sems = ((semk0, semv0, semp0), (semk1, semv1, semp1))

    def start(t, slot):
        iv = idxall.at[t]
        sk, sv, sp = sems[slot]
        ck = pltpu.async_copy(kt_ref.at[iv], bk.at[slot], sk)
        cv = pltpu.async_copy(vt_ref.at[iv], bv.at[slot], sv)
        cp = pltpu.async_copy(pp_ref.at[iv], bp.at[slot], sp)
        return ck, cv, cp

    def drain(cs, t, slot):
        r = base + t
        ck, cv, cp = cs
        ck.wait()
        pltpu.sync_copy(bk.at[slot], nk_ref.at[pl.ds(r * 128, 128)])
        cv.wait()
        pltpu.sync_copy(bv.at[slot], nv_ref.at[pl.ds(r * 128, 128)])
        cp.wait()
        pltpu.sync_copy(bp.at[slot], gp_ref.at[pl.ds(r * 128, 128)])

    def step(g, carry):
        t0 = 2 * g
        c0 = start(t0, 0)
        c1 = start(t0 + 1, 1)
        drain(c0, t0, 0)
        drain(c1, t0 + 1, 1)
        return carry

    lax.fori_loop(0, _CHROWS // 2, step, 0)


def _sc_gather(kt2, vt2, pp2, idx2):
    info = plsc.get_sparse_core_info()
    mesh = plsc.VectorSubcoreMesh(core_axis_name="c", subcore_axis_name="s",
                                  num_cores=info.num_cores)
    fn = pl.kernel(
        _sc_gather_body,
        compiler_params=pltpu.CompilerParams(use_tc_tiling_on_sc=False),
        out_type=[
            jax.ShapeDtypeStruct((_BNK, _C), jnp.float32),
            jax.ShapeDtypeStruct((_BNK, _C), jnp.float32),
            jax.ShapeDtypeStruct((_BNK, 16), jnp.float32),
        ],
        mesh=mesh,
        scratch_types=[
            pltpu.VMEM((_CHROWS, 128), jnp.int32),
            pltpu.VMEM((2, 128, _C), jnp.float32),
            pltpu.VMEM((2, 128, _C), jnp.float32),
            pltpu.VMEM((2, 128, 16), jnp.float32),
            pltpu.SemaphoreType.DMA,
            pltpu.SemaphoreType.DMA,
            pltpu.SemaphoreType.DMA,
            pltpu.SemaphoreType.DMA,
            pltpu.SemaphoreType.DMA,
            pltpu.SemaphoreType.DMA,
        ],
    )
    return fn(kt2, vt2, pp2, idx2)


def _stats1_body(gp_ref, pp_ref, w1_ref, acc_ref):
    @pl.when(pl.program_id(0) == 0)
    def _():
        acc_ref[...] = jnp.zeros_like(acc_ref)

    gpb = gp_ref[...]
    pb = pp_ref[...]
    rel = (gpb.reshape(_PB, _K, 16) - pb[:, None, :]).reshape(_RB, 16)
    h = lax.dot_general(rel, w1_ref[...], (((1,), (1,)), ((), ())),
                        preferred_element_type=jnp.float32)
    s = jnp.sum(h, axis=0)
    ss = jnp.sum(h * h, axis=0)
    z = jnp.zeros_like(s)
    acc_ref[...] += jnp.stack([s, ss, z, z, z, z, z, z])


def _stats1(gp2, pp2, W1p):
    return pl.pallas_call(
        _stats1_body,
        grid=(_NSTEP,),
        in_specs=[
            pl.BlockSpec((_RB, 16), lambda i: (i, 0)),
            pl.BlockSpec((_PB, 16), lambda i: (i, 0)),
            pl.BlockSpec((16, 16), lambda i: (0, 0)),
        ],
        out_specs=pl.BlockSpec((8, 16), lambda i: (0, 0)),
        out_shape=jax.ShapeDtypeStruct((8, 16), jnp.float32),
        interpret=_INTERPRET,
    )(gp2, pp2, W1p)


def _apre(gpb, pb, qb, nkb, w1, ab1, w2, bp2r):
    rel = (gpb.reshape(_PB, _K, 16) - pb[:, None, :]).reshape(_RB, 16)
    h = lax.dot_general(rel, w1, (((1,), (1,)), ((), ())),
                        preferred_element_type=jnp.float32)
    hp = jnp.maximum(h * ab1[0:1] + ab1[1:2], 0.0)
    nr = lax.dot_general(hp, w2, (((1,), (1,)), ((), ())),
                         preferred_element_type=jnp.float32) + bp2r
    q3 = jnp.broadcast_to(qb[:, None, :], (_PB, _K, _C)).reshape(_RB, _C)
    return q3 - nkb + nr, nr


def _stats2_body(gp_ref, pp_ref, q_ref, nk_ref, w1_ref, ab1_ref, w2_ref,
                 bp2_ref, acc_ref):
    @pl.when(pl.program_id(0) == 0)
    def _():
        acc_ref[...] = jnp.zeros_like(acc_ref)

    a_pre, _ = _apre(gp_ref[...], pp_ref[...], q_ref[...],
                     nk_ref[...].astype(jnp.float32),
                     w1_ref[...], ab1_ref[...], w2_ref[...], bp2_ref[...])
    s = jnp.sum(a_pre, axis=0)
    ss = jnp.sum(a_pre * a_pre, axis=0)
    z = jnp.zeros_like(s)
    acc_ref[...] += jnp.stack([s, ss, z, z, z, z, z, z])


def _stats3_body(gp_ref, pp_ref, q_ref, nk_ref, w1_ref, ab1_ref, w2_ref,
                 bp2_ref, ab2_ref, wa1_ref, acc_ref):
    @pl.when(pl.program_id(0) == 0)
    def _():
        acc_ref[...] = jnp.zeros_like(acc_ref)

    a_pre, _ = _apre(gp_ref[...], pp_ref[...], q_ref[...],
                     nk_ref[...].astype(jnp.float32),
                     w1_ref[...], ab1_ref[...], w2_ref[...], bp2_ref[...])
    act = jnp.maximum(a_pre * ab2_ref[0:1] + ab2_ref[1:2], 0.0)
    a1 = lax.dot_general(act, wa1_ref[...], (((1,), (1,)), ((), ())),
                         preferred_element_type=jnp.float32)
    s = jnp.sum(a1, axis=0)
    ss = jnp.sum(a1 * a1, axis=0)
    z = jnp.zeros_like(s)
    acc_ref[...] += jnp.stack([s, ss, z, z, z, z, z, z])


def _fsum(x3):
    r = x3
    for w in (8, 4, 2, 1):
        r = r[:, :w, :] + r[:, w:2 * w, :]
    return r


def _fmax(x3):
    r = x3
    for w in (8, 4, 2, 1):
        r = jnp.maximum(r[:, :w, :], r[:, w:2 * w, :])
    return r


def _final_body(gp_ref, pp_ref, q_ref, nk_ref, nv_ref, w1_ref, ab1_ref,
                w2_ref, bp2_ref, ab2_ref, wa1_ref, ab3_ref, wa2_ref,
                ba2_ref, y_ref):
    a_pre, nr = _apre(gp_ref[...], pp_ref[...], q_ref[...],
                      nk_ref[...].astype(jnp.float32),
                      w1_ref[...], ab1_ref[...], w2_ref[...], bp2_ref[...])
    act = jnp.maximum(a_pre * ab2_ref[0:1] + ab2_ref[1:2], 0.0)
    a1 = lax.dot_general(act, wa1_ref[...], (((1,), (1,)), ((), ())),
                         preferred_element_type=jnp.float32)
    act2 = jnp.maximum(a1 * ab3_ref[0:1] + ab3_ref[1:2], 0.0)
    a2 = lax.dot_general(act2, wa2_ref[...], (((1,), (1,)), ((), ())),
                         preferred_element_type=jnp.float32) + ba2_ref[...]
    a3 = a2.reshape(_PB, _K, _C)
    m = _fmax(a3)
    e = jnp.exp(a3 - m)
    ssum = _fsum(e)
    att = e / ssum
    nv3 = (nv_ref[...].astype(jnp.float32).reshape(_PB, _K, _C)
           + nr.reshape(_PB, _K, _C))
    y = _fsum(nv3 * att).reshape(_PB, _C)
    y_ref[0] = y.T


def _final(gp2, pp2, qt2, nk2, nv2, W1p, ab1, W2p, bp2r, ab2, Wa1, ab3,
           Wa2, ba2r):
    nblk = _N // _PB
    return pl.pallas_call(
        _final_body,
        grid=(_NSTEP,),
        in_specs=[
            pl.BlockSpec((_RB, 16), lambda i: (i, 0)),
            pl.BlockSpec((_PB, 16), lambda i: (i, 0)),
            pl.BlockSpec((_PB, _C), lambda i: (i, 0)),
            pl.BlockSpec((_RB, _C), lambda i: (i, 0)),
            pl.BlockSpec((_RB, _C), lambda i: (i, 0)),
            pl.BlockSpec((16, 16), lambda i: (0, 0)),
            pl.BlockSpec((2, 16), lambda i: (0, 0)),
            pl.BlockSpec((_C, 16), lambda i: (0, 0)),
            pl.BlockSpec((1, _C), lambda i: (0, 0)),
            pl.BlockSpec((2, _C), lambda i: (0, 0)),
            pl.BlockSpec((_C, _C), lambda i: (0, 0)),
            pl.BlockSpec((2, _C), lambda i: (0, 0)),
            pl.BlockSpec((_C, _C), lambda i: (0, 0)),
            pl.BlockSpec((1, _C), lambda i: (0, 0)),
        ],
        out_specs=pl.BlockSpec((1, _C, _PB),
                               lambda i: (i // nblk, 0, i % nblk)),
        out_shape=jax.ShapeDtypeStruct((_B, _C, _N), jnp.float32),
        interpret=_INTERPRET,
    )(gp2, pp2, qt2, nk2, nv2, W1p, ab1, W2p, bp2r, ab2, Wa1, ab3, Wa2, ba2r)


def _stats2(gp2, pp2, qt2, nk2, W1p, ab1, W2p, bp2r):
    return pl.pallas_call(
        _stats2_body,
        grid=(_NSTEP,),
        in_specs=[
            pl.BlockSpec((_RB, 16), lambda i: (i, 0)),
            pl.BlockSpec((_PB, 16), lambda i: (i, 0)),
            pl.BlockSpec((_PB, _C), lambda i: (i, 0)),
            pl.BlockSpec((_RB, _C), lambda i: (i, 0)),
            pl.BlockSpec((16, 16), lambda i: (0, 0)),
            pl.BlockSpec((2, 16), lambda i: (0, 0)),
            pl.BlockSpec((_C, 16), lambda i: (0, 0)),
            pl.BlockSpec((1, _C), lambda i: (0, 0)),
        ],
        out_specs=pl.BlockSpec((8, _C), lambda i: (0, 0)),
        out_shape=jax.ShapeDtypeStruct((8, _C), jnp.float32),
        interpret=_INTERPRET,
    )(gp2, pp2, qt2, nk2, W1p, ab1, W2p, bp2r)


def _stats3(gp2, pp2, qt2, nk2, W1p, ab1, W2p, bp2r, ab2, Wa1):
    return pl.pallas_call(
        _stats3_body,
        grid=(_NSTEP,),
        in_specs=[
            pl.BlockSpec((_RB, 16), lambda i: (i, 0)),
            pl.BlockSpec((_PB, 16), lambda i: (i, 0)),
            pl.BlockSpec((_PB, _C), lambda i: (i, 0)),
            pl.BlockSpec((_RB, _C), lambda i: (i, 0)),
            pl.BlockSpec((16, 16), lambda i: (0, 0)),
            pl.BlockSpec((2, 16), lambda i: (0, 0)),
            pl.BlockSpec((_C, 16), lambda i: (0, 0)),
            pl.BlockSpec((1, _C), lambda i: (0, 0)),
            pl.BlockSpec((2, _C), lambda i: (0, 0)),
            pl.BlockSpec((_C, _C), lambda i: (0, 0)),
        ],
        out_specs=pl.BlockSpec((8, _C), lambda i: (0, 0)),
        out_shape=jax.ShapeDtypeStruct((8, _C), jnp.float32),
        interpret=_INTERPRET,
    )(gp2, pp2, qt2, nk2, W1p, ab1, W2p, bp2r, ab2, Wa1)


def _ab(s, ss, g, b):
    m = s / _BNK
    v = ss / _BNK - m * m
    a = g / jnp.sqrt(v + _EPS)
    return a, b - m * a


def kernel(p, x, Wq, bq, Wk, bk, Wv, bv, Wp1, g_p1, b_p1, Wp2, bp2,
           g_a0, b_a0, Wa1, g_a1, b_a1, Wa2, ba2):
    f32 = jnp.float32
    W3 = jnp.stack([Wq, Wk, Wv])
    b3 = jnp.stack([bq, bk, bv])
    qt, kt, vt = _qkv(x, W3, b3)
    qt2 = qt.reshape(_BN, _C)
    kt2 = kt.reshape(_BN, _C)
    vt2 = vt.reshape(_BN, _C)

    pp3 = jnp.concatenate(
        [p, jnp.zeros((_B, _N, 13), f32)], axis=-1)
    pp2 = pp3.reshape(_BN, 16)

    idx = _knn(pp3)
    idx2 = idx.reshape(_BNK // 128, 128)

    nk2, nv2, gp2 = _sc_gather(kt2, vt2, pp2, idx2)

    W1p = jnp.zeros((16, 16), f32).at[:3, :3].set(Wp1)
    acc1 = _stats1(gp2, pp2, W1p)
    a1v, b1v = _ab(acc1[0, :3], acc1[1, :3], g_p1, b_p1)
    z13 = jnp.zeros((13,), f32)
    ab1 = jnp.stack([jnp.concatenate([a1v, z13]),
                     jnp.concatenate([b1v, z13])])
    W2p = jnp.zeros((_C, 16), f32).at[:, :3].set(Wp2)
    bp2r = bp2.reshape(1, _C)

    acc2 = _stats2(gp2, pp2, qt2, nk2, W1p, ab1, W2p, bp2r)
    a2v, b2v = _ab(acc2[0], acc2[1], g_a0, b_a0)
    ab2 = jnp.stack([a2v, b2v])

    acc3 = _stats3(gp2, pp2, qt2, nk2, W1p, ab1, W2p, bp2r, ab2, Wa1)
    a3v, b3v = _ab(acc3[0], acc3[1], g_a1, b_a1)
    ab3 = jnp.stack([a3v, b3v])

    ba2r = ba2.reshape(1, _C)
    y = _final(gp2, pp2, qt2, nk2, nv2, W1p, ab1, W2p, bp2r, ab2, Wa1,
               ab3, Wa2, ba2r)
    return y

# --- scband reference (transcript-rebuilt; emitter-appended) ---
"""Pipeline reference for scband-point-transformer-layer-6708738916629 (READ-ONLY COPY).

The authoritative reference and input builder live on the scoring server;
editing this copy changes nothing except your own understanding.
"""

import jax, jax.numpy as jnp
import numpy as np

C_IN = 128
C_OUT = 128
KNN = 16
EPS = 1e-5
B = 4
N = 4096

def _u(key, shape, scale):
    return jax.random.uniform(key, shape, minval=-scale, maxval=scale, dtype=jnp.float32)

def setup_inputs(seed: int = 0):
    key = jax.random.key(seed)
    ks = jax.random.split(key, 16)
    s = 1.0 / np.sqrt(C_IN)
    s3 = 1.0 / np.sqrt(3.0)
    so = 1.0 / np.sqrt(C_OUT)
    return {
        'p': jax.random.normal(ks[0], (B, N, 3), dtype=jnp.float32),
        'x': jax.random.normal(ks[1], (B, C_IN, N), dtype=jnp.float32),
        'Wq': _u(ks[2], (C_OUT, C_IN), s), 'bq': _u(ks[3], (C_OUT,), s),
        'Wk': _u(ks[4], (C_OUT, C_IN), s), 'bk': _u(ks[5], (C_OUT,), s),
        'Wv': _u(ks[6], (C_OUT, C_IN), s), 'bv': _u(ks[7], (C_OUT,), s),
        'Wp1': _u(ks[8], (3, 3), s3),
        'g_p1': jnp.ones((3,), jnp.float32), 'b_p1': jnp.zeros((3,), jnp.float32),
        'Wp2': _u(ks[9], (C_OUT, 3), s3), 'bp2': _u(ks[10], (C_OUT,), s3),
        'g_a0': jnp.ones((C_OUT,), jnp.float32), 'b_a0': jnp.zeros((C_OUT,), jnp.float32),
        'Wa1': _u(ks[11], (C_OUT, C_OUT), so),
        'g_a1': jnp.ones((C_OUT,), jnp.float32), 'b_a1': jnp.zeros((C_OUT,), jnp.float32),
        'Wa2': _u(ks[12], (C_OUT, C_OUT), so), 'ba2': _u(ks[13], (C_OUT,), so),
    }

def _bn(h, g, b):
    m = jnp.mean(h, axis=(0, 2, 3), keepdims=True)
    v = jnp.var(h, axis=(0, 2, 3), keepdims=True)
    return (h - m) / jnp.sqrt(v + EPS) * g[None, :, None, None] + b[None, :, None, None]

def _forward(p, x, Wq, bq, Wk, bk, Wv, bv, Wp1, g_p1, b_p1, Wp2, bp2, g_a0, b_a0, Wa1, g_a1, b_a1, Wa2, ba2):
    q = jnp.einsum('oi,bin->bon', Wq, x) + bq[None, :, None]
    k = jnp.einsum('oi,bin->bon', Wk, x) + bk[None, :, None]
    v = jnp.einsum('oi,bin->bon', Wv, x) + bv[None, :, None]
    sq = jnp.sum(p * p, axis=-1)
    d = sq[:, :, None] + sq[:, None, :] - 2.0 * jnp.einsum('bnd,bmd->bnm', p, p)
    _, idx = jax.lax.top_k(-d, KNN)
    gather = jax.vmap(lambda f, i: f[i])
    gp = gather(p, idx)
    rel = jnp.transpose(gp - p[:, :, None, :], (0, 3, 1, 2))
    nk = jnp.transpose(gather(jnp.transpose(k, (0, 2, 1)), idx), (0, 3, 1, 2))
    nv = jnp.transpose(gather(jnp.transpose(v, (0, 2, 1)), idx), (0, 3, 1, 2))
    h = jnp.einsum('oi,bink->bonk', Wp1, rel)
    h = jax.nn.relu(_bn(h, g_p1, b_p1))
    nr = jnp.einsum('oi,bink->bonk', Wp2, h) + bp2[None, :, None, None]
    nv = nv + nr
    a = q[:, :, :, None] - nk + nr
    a = jax.nn.relu(_bn(a, g_a0, b_a0))
    a = jnp.einsum('oi,bink->bonk', Wa1, a)
    a = jax.nn.relu(_bn(a, g_a1, b_a1))
    a = jnp.einsum('oi,bink->bonk', Wa2, a) + ba2[None, :, None, None]
    a = jax.nn.softmax(a, axis=-1)
    y = jnp.einsum('bcnk,bcnk->bcn', nv, a)
    return y

def reference(p, x, Wq, bq, Wk, bk, Wv, bv, Wp1, g_p1, b_p1, Wp2, bp2, g_a0, b_a0, Wa1, g_a1, b_a1, Wa2, ba2):
    return _forward(p, x, Wq, bq, Wk, bk, Wv, bv, Wp1, g_p1, b_p1, Wp2, bp2, g_a0, b_a0, Wa1, g_a1, b_a1, Wa2, ba2)

if __name__ == "__main__":
    import jax
    _d = setup_inputs()
    print(jax.jit(kernel)(*tuple(_d.values())))

</pallas_src>

<mosaic_0001>
#map = affine_map<(d0, d1) -> (0, 0)>
module attributes {stable_mosaic.version = 14 : i64} {
  func.func @_sc_gather_body(%arg0: i32, %arg1: i32, %arg2: memref<16384x128xf32, #tpu.memory_space<hbm>>, %arg3: memref<16384x128xf32, #tpu.memory_space<hbm>>, %arg4: memref<16384x16xf32, #tpu.memory_space<hbm>>, %arg5: memref<2048x128xi32, #tpu.memory_space<hbm>>, %arg6: memref<262144x128xf32, #tpu.memory_space<hbm>>, %arg7: memref<262144x128xf32, #tpu.memory_space<hbm>>, %arg8: memref<262144x16xf32, #tpu.memory_space<hbm>>, %arg9: memref<64x128xi32, #tpu.memory_space<vmem>>, %arg10: memref<2x128x128xf32, #tpu.memory_space<vmem>>, %arg11: memref<2x128x128xf32, #tpu.memory_space<vmem>>, %arg12: memref<2x128x16xf32, #tpu.memory_space<vmem>>, %arg13: memref<!tpu.dma_semaphore, #tpu.memory_space<semaphore_mem>>, %arg14: memref<!tpu.dma_semaphore, #tpu.memory_space<semaphore_mem>>, %arg15: memref<!tpu.dma_semaphore, #tpu.memory_space<semaphore_mem>>, %arg16: memref<!tpu.dma_semaphore, #tpu.memory_space<semaphore_mem>>, %arg17: memref<!tpu.dma_semaphore, #tpu.memory_space<semaphore_mem>>, %arg18: memref<!tpu.dma_semaphore, #tpu.memory_space<semaphore_mem>>) attributes {dimension_semantics = [#tpu.dimension_semantics<core_parallel>, #tpu.dimension_semantics<subcore_parallel>], iteration_bounds = array<i64: 2, 16>, scalar_prefetch = 0 : i64, scratch_operands = 10 : i64, tpu.core_type = #tpu.core_type<sc_vector_subcore>, window_params = [{transform_indices = #map}, {transform_indices = #map}, {transform_indices = #map}, {transform_indices = #map}, {transform_indices = #map}, {transform_indices = #map}, {transform_indices = #map}]} {
    %mul3A = arith.constant 2 : i32
    %mul3A_0 = arith.muli %arg1, %mul3A : i32
    %add3A = arith.addi %mul3A_0, %arg0 : i32
    %mul3A_1 = arith.constant 64 : i32
    %mul3A_2 = arith.muli %add3A, %mul3A_1 : i32
    "tpu.region"() ({
      %run_scoped3A = tpu.sem_alloc : memref<!tpu.dma_semaphore, #tpu.memory_space<semaphore_mem>>
      %dma_start3A = arith.constant 0 : i32
      %dma_start3A_8 = tpu.memref_slice %arg5[%mul3A_2, %dma_start3A] : memref<2048x128xi32, #tpu.memory_space<hbm>> -> memref<64x128xi32, #tpu.memory_space<hbm>>
      %dma_start3A_9 = arith.constant 0 : i32
      %dma_start3A_10 = tpu.memref_slice %arg5[%mul3A_2, %dma_start3A_9] : memref<2048x128xi32, #tpu.memory_space<hbm>> -> memref<64x128xi32, #tpu.memory_space<hbm>>
      tpu.enqueue_dma source(%dma_start3A_10 : memref<64x128xi32, #tpu.memory_space<hbm>>) target(%arg9 : memref<64x128xi32, #tpu.memory_space<vmem>>) target_semaphore(%run_scoped3A : memref<!tpu.dma_semaphore, #tpu.memory_space<semaphore_mem>>)
      %dma_wait3A = arith.constant 0 : i32
      %dma_wait3A_11 = tpu.memref_slice %arg5[%mul3A_2, %dma_wait3A] : memref<2048x128xi32, #tpu.memory_space<hbm>> -> memref<64x128xi32, #tpu.memory_space<hbm>>
      %dma_wait3A_12 = arith.constant 0 : i32
      %dma_wait3A_13 = tpu.memref_slice %arg5[%mul3A_2, %dma_wait3A_12] : memref<2048x128xi32, #tpu.memory_space<hbm>> -> memref<64x128xi32, #tpu.memory_space<hbm>>
      tpu.wait_dma2 semaphore(%run_scoped3A : memref<!tpu.dma_semaphore, #tpu.memory_space<semaphore_mem>>) src(%dma_wait3A_13 : memref<64x128xi32, #tpu.memory_space<hbm>>) dst(%arg9 : memref<64x128xi32, #tpu.memory_space<vmem>>)
      tpu.yield
    }) : () -> ()
    %scan3A = arith.constant 0 : i32
    %scan3A_3 = arith.constant 0 : i32
    %scan3A_4 = arith.constant 32 : i32
    %scan3A_5 = arith.addi %scan3A_3, %scan3A_4 : i32
    %scan3A_6 = arith.constant 1 : i32
    scf.for %scan3A_8 = %scan3A_3 to %scan3A_5 step %scan3A_6  : i32 {
      %mul3A_9 = arith.constant 2 : i32
      %mul3A_10 = arith.muli %mul3A_9, %scan3A_8 : i32
      %dma_start3A = arith.constant 0 : i32
      %dma_start3A_11 = arith.constant 0 : i32
      %dma_start3A_12 = arith.constant 0 : i32
      %dma_start3A_13 = tpu.memref_slice %arg10[%dma_start3A, %dma_start3A_11, %dma_start3A_12] : memref<2x128x128xf32, #tpu.memory_space<vmem>> -> memref<1x128x128xf32, #tpu.memory_space<vmem>>
      %dma_start3A_14 = tpu.memref_squeeze %dma_start3A_13 : memref<1x128x128xf32, #tpu.memory_space<vmem>> -> memref<128x128xf32, #tpu.memory_space<vmem>>
      %dma_start3A_15 = arith.constant 0 : i32
      %dma_start3A_16 = tpu.memref_slice %arg9[%mul3A_10, %dma_start3A_15] : memref<64x128xi32, #tpu.memory_space<vmem>> -> memref<1x128xi32, #tpu.memory_space<vmem>>
      %dma_start3A_17 = tpu.memref_squeeze %dma_start3A_16 : memref<1x128xi32, #tpu.memory_space<vmem>> -> memref<128xi32, #tpu.memory_space<vmem>>
      %dma_start3A_18 = arith.constant 0 : i32
      %dma_start3A_19 = arith.constant 0 : i32
      %dma_start3A_20 = tpu.memref_slice %arg2[%dma_start3A_18, %dma_start3A_19] : memref<16384x128xf32, #tpu.memory_space<hbm>> -> memref<16384x128xf32, #tpu.memory_space<hbm>>
      tpu.enqueue_indirect_dma source(%dma_start3A_20 : memref<16384x128xf32, #tpu.memory_space<hbm>>) target(%dma_start3A_14 : memref<128x128xf32, #tpu.memory_space<vmem>>) offsets(%dma_start3A_17 : memref<128xi32, #tpu.memory_space<vmem>>) semaphore(%arg13 : memref<!tpu.dma_semaphore, #tpu.memory_space<semaphore_mem>>)
      %dma_start3A_21 = arith.constant 0 : i32
      %dma_start3A_22 = arith.constant 0 : i32
      %dma_start3A_23 = arith.constant 0 : i32
      %dma_start3A_24 = tpu.memref_slice %arg11[%dma_start3A_21, %dma_start3A_22, %dma_start3A_23] : memref<2x128x128xf32, #tpu.memory_space<vmem>> -> memref<1x128x128xf32, #tpu.memory_space<vmem>>
      %dma_start3A_25 = tpu.memref_squeeze %dma_start3A_24 : memref<1x128x128xf32, #tpu.memory_space<vmem>> -> memref<128x128xf32, #tpu.memory_space<vmem>>
      %dma_start3A_26 = arith.constant 0 : i32
      %dma_start3A_27 = tpu.memref_slice %arg9[%mul3A_10, %dma_start3A_26] : memref<64x128xi32, #tpu.memory_space<vmem>> -> memref<1x128xi32, #tpu.memory_space<vmem>>
      %dma_start3A_28 = tpu.memref_squeeze %dma_start3A_27 : memref<1x128xi32, #tpu.memory_space<vmem>> -> memref<128xi32, #tpu.memory_space<vmem>>
      %dma_start3A_29 = arith.constant 0 : i32
      %dma_start3A_30 = arith.constant 0 : i32
      %dma_start3A_31 = tpu.memref_slice %arg3[%dma_start3A_29, %dma_start3A_30] : memref<16384x128xf32, #tpu.memory_space<hbm>> -> memref<16384x128xf32, #tpu.memory_space<hbm>>
      tpu.enqueue_indirect_dma source(%dma_start3A_31 : memref<16384x128xf32, #tpu.memory_space<hbm>>) target(%dma_start3A_25 : memref<128x128xf32, #tpu.memory_space<vmem>>) offsets(%dma_start3A_28 : memref<128xi32, #tpu.memory_space<vmem>>) semaphore(%arg15 : memref<!tpu.dma_semaphore, #tpu.memory_space<semaphore_mem>>)
      %dma_start3A_32 = arith.constant 0 : i32
      %dma_start3A_33 = arith.constant 0 : i32
      %dma_start3A_34 = arith.constant 0 : i32
      %dma_start3A_35 = tpu.memref_slice %arg12[%dma_start3A_32, %dma_start3A_33, %dma_start3A_34] : memref<2x128x16xf32, #tpu.memory_space<vmem>> -> memref<1x128x16xf32, #tpu.memory_space<vmem>>
      %dma_start3A_36 = tpu.memref_squeeze %dma_start3A_35 : memref<1x128x16xf32, #tpu.memory_space<vmem>> -> memref<128x16xf32, #tpu.memory_space<vmem>>
      %dma_start3A_37 = arith.constant 0 : i32
      %dma_start3A_38 = tpu.memref_slice %arg9[%mul3A_10, %dma_start3A_37] : memref<64x128xi32, #tpu.memory_space<vmem>> -> memref<1x128xi32, #tpu.memory_space<vmem>>
      %dma_start3A_39 = tpu.memref_squeeze %dma_start3A_38 : memref<1x128xi32, #tpu.memory_space<vmem>> -> memref<128xi32, #tpu.memory_space<vmem>>
      %dma_start3A_40 = arith.constant 0 : i32
      %dma_start3A_41 = arith.constant 0 : i32
      %dma_start3A_42 = tpu.memref_slice %arg4[%dma_start3A_40, %dma_start3A_41] : memref<16384x16xf32, #tpu.memory_space<hbm>> -> memref<16384x16xf32, #tpu.memory_space<hbm>>
      tpu.enqueue_indirect_dma source(%dma_start3A_42 : memref<16384x16xf32, #tpu.memory_space<hbm>>) target(%dma_start3A_36 : memref<128x16xf32, #tpu.memory_space<vmem>>) offsets(%dma_start3A_39 : memref<128xi32, #tpu.memory_space<vmem>>) semaphore(%arg17 : memref<!tpu.dma_semaphore, #tpu.memory_space<semaphore_mem>>)
      %add3A_43 = arith.constant 1 : i32
      %add3A_44 = arith.addi %mul3A_10, %add3A_43 : i32
      %dma_start3A_45 = arith.constant 1 : i32
      %dma_start3A_46 = arith.constant 0 : i32
      %dma_start3A_47 = arith.constant 0 : i32
      %dma_start3A_48 = tpu.memref_slice %arg10[%dma_start3A_45, %dma_start3A_46, %dma_start3A_47] : memref<2x128x128xf32, #tpu.memory_space<vmem>> -> memref<1x128x128xf32, #tpu.memory_space<vmem>>
      %dma_start3A_49 = tpu.memref_squeeze %dma_start3A_48 : memref<1x128x128xf32, #tpu.memory_space<vmem>> -> memref<128x128xf32, #tpu.memory_space<vmem>>
      %dma_start3A_50 = arith.constant 0 : i32
      %dma_start3A_51 = tpu.memref_slice %arg9[%add3A_44, %dma_start3A_50] : memref<64x128xi32, #tpu.memory_space<vmem>> -> memref<1x128xi32, #tpu.memory_space<vmem>>
      %dma_start3A_52 = tpu.memref_squeeze %dma_start3A_51 : memref<1x128xi32, #tpu.memory_space<vmem>> -> memref<128xi32, #tpu.memory_space<vmem>>
      %dma_start3A_53 = arith.constant 0 : i32
      %dma_start3A_54 = arith.constant 0 : i32
      %dma_start3A_55 = tpu.memref_slice %arg2[%dma_start3A_53, %dma_start3A_54] : memref<16384x128xf32, #tpu.memory_space<hbm>> -> memref<16384x128xf32, #tpu.memory_space<hbm>>
      tpu.enqueue_indirect_dma source(%dma_start3A_55 : memref<16384x128xf32, #tpu.memory_space<hbm>>) target(%dma_start3A_49 : memref<128x128xf32, #tpu.memory_space<vmem>>) offsets(%dma_start3A_52 : memref<128xi32, #tpu.memory_space<vmem>>) semaphore(%arg14 : memref<!tpu.dma_semaphore, #tpu.memory_space<semaphore_mem>>)
      %dma_start3A_56 = arith.constant 1 : i32
      %dma_start3A_57 = arith.constant 0 : i32
      %dma_start3A_58 = arith.constant 0 : i32
      %dma_start3A_59 = tpu.memref_slice %arg11[%dma_start3A_56, %dma_start3A_57, %dma_start3A_58] : memref<2x128x128xf32, #tpu.memory_space<vmem>> -> memref<1x128x128xf32, #tpu.memory_space<vmem>>
      %dma_start3A_60 = tpu.memref_squeeze %dma_start3A_59 : memref<1x128x128xf32, #tpu.memory_space<vmem>> -> memref<128x128xf32, #tpu.memory_space<vmem>>
      %dma_start3A_61 = arith.constant 0 : i32
      %dma_start3A_62 = tpu.memref_slice %arg9[%add3A_44, %dma_start3A_61] : memref<64x128xi32, #tpu.memory_space<vmem>> -> memref<1x128xi32, #tpu.memory_space<vmem>>
      %dma_start3A_63 = tpu.memref_squeeze %dma_start3A_62 : memref<1x128xi32, #tpu.memory_space<vmem>> -> memref<128xi32, #tpu.memory_space<vmem>>
      %dma_start3A_64 = arith.constant 0 : i32
      %dma_start3A_65 = arith.constant 0 : i32
      %dma_start3A_66 = tpu.memref_slice %arg3[%dma_start3A_64, %dma_start3A_65] : memref<16384x128xf32, #tpu.memory_space<hbm>> -> memref<16384x128xf32, #tpu.memory_space<hbm>>
      tpu.enqueue_indirect_dma source(%dma_start3A_66 : memref<16384x128xf32, #tpu.memory_space<hbm>>) target(%dma_start3A_60 : memref<128x128xf32, #tpu.memory_space<vmem>>) offsets(%dma_start3A_63 : memref<128xi32, #tpu.memory_space<vmem>>) semaphore(%arg16 : memref<!tpu.dma_semaphore, #tpu.memory_space<semaphore_mem>>)
      %dma_start3A_67 = arith.constant 1 : i32
      %dma_start3A_68 = arith.constant 0 : i32
      %dma_start3A_69 = arith.constant 0 : i32
      %dma_start3A_70 = tpu.memref_slice %arg12[%dma_start3A_67, %dma_start3A_68, %dma_start3A_69] : memref<2x128x16xf32, #tpu.memory_space<vmem>> -> memref<1x128x16xf32, #tpu.memory_space<vmem>>
      %dma_start3A_71 = tpu.memref_squeeze %dma_start3A_70 : memref<1x128x16xf32, #tpu.memory_space<vmem>> -> memref<128x16xf32, #tpu.memory_space<vmem>>
      %dma_start3A_72 = arith.constant 0 : i32
      %dma_start3A_73 = tpu.memref_slice %arg9[%add3A_44, %dma_start3A_72] : memref<64x128xi32, #tpu.memory_space<vmem>> -> memref<1x128xi32, #tpu.memory_space<vmem>>
      %dma_start3A_74 = tpu.memref_squeeze %dma_start3A_73 : memref<1x128xi32, #tpu.memory_space<vmem>> -> memref<128xi32, #tpu.memory_space<vmem>>
      %dma_start3A_75 = arith.constant 0 : i32
      %dma_start3A_76 = arith.constant 0 : i32
      %dma_start3A_77 = tpu.memref_slice %arg4[%dma_start3A_75, %dma_start3A_76] : memref<16384x16xf32, #tpu.memory_space<hbm>> -> memref<16384x16xf32, #tpu.memory_space<hbm>>
      tpu.enqueue_indirect_dma source(%dma_start3A_77 : memref<16384x16xf32, #tpu.memory_space<hbm>>) target(%dma_start3A_71 : memref<128x16xf32, #tpu.memory_space<vmem>>) offsets(%dma_start3A_74 : memref<128xi32, #tpu.memory_space<vmem>>) semaphore(%arg18 : memref<!tpu.dma_semaphore, #tpu.memory_space<semaphore_mem>>)
      %add3A_78 = arith.addi %mul3A_2, %mul3A_10 : i32
      %dma_wait3A = arith.constant 0 : i32
      %dma_wait3A_79 = arith.constant 0 : i32
      %dma_wait3A_80 = arith.constant 0 : i32
      %dma_wait3A_81 = tpu.memref_slice %arg10[%dma_wait3A, %dma_wait3A_79, %dma_wait3A_80] : memref<2x128x128xf32, #tpu.memory_space<vmem>> -> memref<1x128x128xf32, #tpu.memory_space<vmem>>
      %dma_wait3A_82 = tpu.memref_squeeze %dma_wait3A_81 : memref<1x128x128xf32, #tpu.memory_space<vmem>> -> memref<128x128xf32, #tpu.memory_space<vmem>>
      %dma_wait3A_83 = arith.constant 0 : i32
      %dma_wait3A_84 = tpu.memref_slice %arg9[%mul3A_10, %dma_wait3A_83] : memref<64x128xi32, #tpu.memory_space<vmem>> -> memref<1x128xi32, #tpu.memory_space<vmem>>
      %dma_wait3A_85 = tpu.memref_squeeze %dma_wait3A_84 : memref<1x128xi32, #tpu.memory_space<vmem>> -> memref<128xi32, #tpu.memory_space<vmem>>
      %dma_wait3A_86 = arith.constant 0 : i32
      %dma_wait3A_87 = arith.constant 0 : i32
      %dma_wait3A_88 = tpu.memref_slice %arg2[%dma_wait3A_86, %dma_wait3A_87] : memref<16384x128xf32, #tpu.memory_space<hbm>> -> memref<16384x128xf32, #tpu.memory_space<hbm>>
      tpu.wait_indirect_dma semaphore(%arg13 : memref<!tpu.dma_semaphore, #tpu.memory_space<semaphore_mem>>) src(%dma_wait3A_88 : memref<16384x128xf32, #tpu.memory_space<hbm>>) dst(%dma_wait3A_82 : memref<128x128xf32, #tpu.memory_space<vmem>>)
      %mul3A_89 = arith.constant 128 : i32
      %mul3A_90 = arith.muli %add3A_78, %mul3A_89 : i32
      %run_scoped3A = arith.constant 0 : i32
      "tpu.region"() ({
        %run_scoped3A_164 = tpu.sem_alloc : memref<!tpu.dma_semaphore, #tpu.memory_space<semaphore_mem>>
        %dma_start3A_165 = arith.constant 0 : i32
        %dma_start3A_166 = arith.constant 0 : i32
        %dma_start3A_167 = tpu.memref_slice %arg10[%run_scoped3A, %dma_start3A_165, %dma_start3A_166] : memref<2x128x128xf32, #tpu.memory_space<vmem>> -> memref<1x128x128xf32, #tpu.memory_space<vmem>>
        %dma_start3A_168 = tpu.memref_squeeze %dma_start3A_167 : memref<1x128x128xf32, #tpu.memory_space<vmem>> -> memref<128x128xf32, #tpu.memory_space<vmem>>
        %dma_start3A_169 = arith.constant 0 : i32
        %dma_start3A_170 = tpu.memref_slice %arg6[%mul3A_90, %dma_start3A_169] : memref<262144x128xf32, #tpu.memory_space<hbm>> -> memref<128x128xf32, #tpu.memory_space<hbm>>
        %dma_start3A_171 = arith.constant 0 : i32
        %dma_start3A_172 = tpu.memref_slice %arg6[%mul3A_90, %dma_start3A_171] : memref<262144x128xf32, #tpu.memory_space<hbm>> -> memref<128x128xf32, #tpu.memory_space<hbm>>
        %dma_start3A_173 = arith.constant 0 : i32
        %dma_start3A_174 = arith.constant 0 : i32
        %dma_start3A_175 = tpu.memref_slice %arg10[%run_scoped3A, %dma_start3A_173, %dma_start3A_174] : memref<2x128x128xf32, #tpu.memory_space<vmem>> -> memref<1x128x128xf32, #tpu.memory_space<vmem>>
        %dma_start3A_176 = tpu.memref_squeeze %dma_start3A_175 : memref<1x128x128xf32, #tpu.memory_space<vmem>> -> memref<128x128xf32, #tpu.memory_space<vmem>>
        tpu.enqueue_dma source(%dma_start3A_176 : memref<128x128xf32, #tpu.memory_space<vmem>>) target(%dma_start3A_172 : memref<128x128xf32, #tpu.memory_space<hbm>>) target_semaphore(%run_scoped3A_164 : memref<!tpu.dma_semaphore, #tpu.memory_space<semaphore_mem>>)
        %dma_wait3A_177 = arith.constant 0 : i32
        %dma_wait3A_178 = arith.constant 0 : i32
        %dma_wait3A_179 = tpu.memref_slice %arg10[%run_scoped3A, %dma_wait3A_177, %dma_wait3A_178] : memref<2x128x128xf32, #tpu.memory_space<vmem>> -> memref<1x128x128xf32, #tpu.memory_space<vmem>>
        %dma_wait3A_180 = tpu.memref_squeeze %dma_wait3A_179 : memref<1x128x128xf32, #tpu.memory_space<vmem>> -> memref<128x128xf32, #tpu.memory_space<vmem>>
        %dma_wait3A_181 = arith.constant 0 : i32
        %dma_wait3A_182 = tpu.memref_slice %arg6[%mul3A_90, %dma_wait3A_181] : memref<262144x128xf32, #tpu.memory_space<hbm>> -> memref<128x128xf32, #tpu.memory_space<hbm>>
        %dma_wait3A_183 = arith.constant 0 : i32
        %dma_wait3A_184 = tpu.memref_slice %arg6[%mul3A_90, %dma_wait3A_183] : memref<262144x128xf32, #tpu.memory_space<hbm>> -> memref<128x128xf32, #tpu.memory_space<hbm>>
        %dma_wait3A_185 = arith.constant 0 : i32
        %dma_wait3A_186 = arith.constant 0 : i32
        %dma_wait3A_187 = tpu.memref_slice %arg10[%run_scoped3A, %dma_wait3A_185, %dma_wait3A_186] : memref<2x128x128xf32, #tpu.memory_space<vmem>> -> memref<1x128x128xf32, #tpu.memory_space<vmem>>
        %dma_wait3A_188 = tpu.memref_squeeze %dma_wait3A_187 : memref<1x128x128xf32, #tpu.memory_space<vmem>> -> memref<128x128xf32, #tpu.memory_space<vmem>>
        tpu.wait_dma2 semaphore(%run_scoped3A_164 : memref<!tpu.dma_semaphore, #tpu.memory_space<semaphore_mem>>) src(%dma_wait3A_188 : memref<128x128xf32, #tpu.memory_space<vmem>>) dst(%dma_wait3A_184 : memref<128x128xf32, #tpu.memory_space<hbm>>)
        tpu.yield
      }) : () -> ()
      %dma_wait3A_91 = arith.constant 0 : i32
      %dma_wait3A_92 = arith.constant 0 : i32
      %dma_wait3A_93 = arith.constant 0 : i32
      %dma_wait3A_94 = tpu.memref_slice %arg11[%dma_wait3A_91, %dma_wait3A_92, %dma_wait3A_93] : memref<2x128x128xf32, #tpu.memory_space<vmem>> -> memref<1x128x128xf32, #tpu.memory_space<vmem>>
      %dma_wait3A_95 = tpu.memref_squeeze %dma_wait3A_94 : memref<1x128x128xf32, #tpu.memory_space<vmem>> -> memref<128x128xf32, #tpu.memory_space<vmem>>
      %dma_wait3A_96 = arith.constant 0 : i32
      %dma_wait3A_97 = tpu.memref_slice %arg9[%mul3A_10, %dma_wait3A_96] : memref<64x128xi32, #tpu.memory_space<vmem>> -> memref<1x128xi32, #tpu.memory_space<vmem>>
      %dma_wait3A_98 = tpu.memref_squeeze %dma_wait3A_97 : memref<1x128xi32, #tpu.memory_space<vmem>> -> memref<128xi32, #tpu.memory_space<vmem>>
      %dma_wait3A_99 = arith.constant 0 : i32
      %dma_wait3A_100 = arith.constant 0 : i32
      %dma_wait3A_101 = tpu.memref_slice %arg3[%dma_wait3A_99, %dma_wait3A_100] : memref<16384x128xf32, #tpu.memory_space<hbm>> -> memref<16384x128xf32, #tpu.memory_space<hbm>>
      tpu.wait_indirect_dma semaphore(%arg15 : memref<!tpu.dma_semaphore, #tpu.memory_space<semaphore_mem>>) src(%dma_wait3A_101 : memref<16384x128xf32, #tpu.memory_space<hbm>>) dst(%dma_wait3A_95 : memref<128x128xf32, #tpu.memory_space<vmem>>)
      %mul3A_102 = arith.constant 128 : i32
      %mul3A_103 = arith.muli %add3A_78, %mul3A_102 : i32
      %run_scoped3A_104 = arith.constant 0 : i32
      "tpu.region"() ({
        %run_scoped3A_164 = tpu.sem_alloc : memref<!tpu.dma_semaphore, #tpu.memory_space<semaphore_mem>>
        %dma_start3A_165 = arith.constant 0 : i32
        %dma_start3A_166 = arith.constant 0 : i32
        %dma_start3A_167 = tpu.memref_slice %arg11[%run_scoped3A_104, %dma_start3A_165, %dma_start3A_166] : memref<2x128x128xf32, #tpu.memory_space<vmem>> -> memref<1x128x128xf32, #tpu.memory_space<vmem>>
        %dma_start3A_168 = tpu.memref_squeeze %dma_start3A_167 : memref<1x128x128xf32, #tpu.memory_space<vmem>> -> memref<128x128xf32, #tpu.memory_space<vmem>>
        %dma_start3A_169 = arith.constant 0 : i32
        %dma_start3A_170 = tpu.memref_slice %arg7[%mul3A_103, %dma_start3A_169] : memref<262144x128xf32, #tpu.memory_space<hbm>> -> memref<128x128xf32, #tpu.memory_space<hbm>>
        %dma_start3A_171 = arith.constant 0 : i32
        %dma_start3A_172 = tpu.memref_slice %arg7[%mul3A_103, %dma_start3A_171] : memref<262144x128xf32, #tpu.memory_space<hbm>> -> memref<128x128xf32, #tpu.memory_space<hbm>>
        %dma_start3A_173 = arith.constant 0 : i32
        %dma_start3A_174 = arith.constant 0 : i32
        %dma_start3A_175 = tpu.memref_slice %arg11[%run_scoped3A_104, %dma_start3A_173, %dma_start3A_174] : memref<2x128x128xf32, #tpu.memory_space<vmem>> -> memref<1x128x128xf32, #tpu.memory_space<vmem>>
        %dma_start3A_176 = tpu.memref_squeeze %dma_start3A_175 : memref<1x128x128xf32, #tpu.memory_space<vmem>> -> memref<128x128xf32, #tpu.memory_space<vmem>>
        tpu.enqueue_dma source(%dma_start3A_176 : memref<128x128xf32, #tpu.memory_space<vmem>>) target(%dma_start3A_172 : memref<128x128xf32, #tpu.memory_space<hbm>>) target_semaphore(%run_scoped3A_164 : memref<!tpu.dma_semaphore, #tpu.memory_space<semaphore_mem>>)
        %dma_wait3A_177 = arith.constant 0 : i32
        %dma_wait3A_178 = arith.constant 0 : i32
        %dma_wait3A_179 = tpu.memref_slice %arg11[%run_scoped3A_104, %dma_wait3A_177, %dma_wait3A_178] : memref<2x128x128xf32, #tpu.memory_space<vmem>> -> memref<1x128x128xf32, #tpu.memory_space<vmem>>
        %dma_wait3A_180 = tpu.memref_squeeze %dma_wait3A_179 : memref<1x128x128xf32, #tpu.memory_space<vmem>> -> memref<128x128xf32, #tpu.memory_space<vmem>>
        %dma_wait3A_181 = arith.constant 0 : i32
        %dma_wait3A_182 = tpu.memref_slice %arg7[%mul3A_103, %dma_wait3A_181] : memref<262144x128xf32, #tpu.memory_space<hbm>> -> memref<128x128xf32, #tpu.memory_space<hbm>>
        %dma_wait3A_183 = arith.constant 0 : i32
        %dma_wait3A_184 = tpu.memref_slice %arg7[%mul3A_103, %dma_wait3A_183] : memref<262144x128xf32, #tpu.memory_space<hbm>> -> memref<128x128xf32, #tpu.memory_space<hbm>>
        %dma_wait3A_185 = arith.constant 0 : i32
        %dma_wait3A_186 = arith.constant 0 : i32
        %dma_wait3A_187 = tpu.memref_slice %arg11[%run_scoped3A_104, %dma_wait3A_185, %dma_wait3A_186] : memref<2x128x128xf32, #tpu.memory_space<vmem>> -> memref<1x128x128xf32, #tpu.memory_space<vmem>>
        %dma_wait3A_188 = tpu.memref_squeeze %dma_wait3A_187 : memref<1x128x128xf32, #tpu.memory_space<vmem>> -> memref<128x128xf32, #tpu.memory_space<vmem>>
        tpu.wait_dma2 semaphore(%run_scoped3A_164 : memref<!tpu.dma_semaphore, #tpu.memory_space<semaphore_mem>>) src(%dma_wait3A_188 : memref<128x128xf32, #tpu.memory_space<vmem>>) dst(%dma_wait3A_184 : memref<128x128xf32, #tpu.memory_space<hbm>>)
        tpu.yield
      }) : () -> ()
      %dma_wait3A_105 = arith.constant 0 : i32
      %dma_wait3A_106 = arith.constant 0 : i32
      %dma_wait3A_107 = arith.constant 0 : i32
      %dma_wait3A_108 = tpu.memref_slice %arg12[%dma_wait3A_105, %dma_wait3A_106, %dma_wait3A_107] : memref<2x128x16xf32, #tpu.memory_space<vmem>> -> memref<1x128x16xf32, #tpu.memory_space<vmem>>
      %dma_wait3A_109 = tpu.memref_squeeze %dma_wait3A_108 : memref<1x128x16xf32, #tpu.memory_space<vmem>> -> memref<128x16xf32, #tpu.memory_space<vmem>>
      %dma_wait3A_110 = arith.constant 0 : i32
      %dma_wait3A_111 = tpu.memref_slice %arg9[%mul3A_10, %dma_wait3A_110] : memref<64x128xi32, #tpu.memory_space<vmem>> -> memref<1x128xi32, #tpu.memory_space<vmem>>
      %dma_wait3A_112 = tpu.memref_squeeze %dma_wait3A_111 : memref<1x128xi32, #tpu.memory_space<vmem>> -> memref<128xi32, #tpu.memory_space<vmem>>
      %dma_wait3A_113 = arith.constant 0 : i32
      %dma_wait3A_114 = arith.constant 0 : i32
      %dma_wait3A_115 = tpu.memref_slice %arg4[%dma_wait3A_113, %dma_wait3A_114] : memref<16384x16xf32, #tpu.memory_space<hbm>> -> memref<16384x16xf32, #tpu.memory_space<hbm>>
      tpu.wait_indirect_dma semaphore(%arg17 : memref<!tpu.dma_semaphore, #tpu.memory_space<semaphore_mem>>) src(%dma_wait3A_115 : memref<16384x16xf32, #tpu.memory_space<hbm>>) dst(%dma_wait3A_109 : memref<128x16xf32, #tpu.memory_space<vmem>>)
      %mul3A_116 = arith.constant 128 : i32
      %mul3A_117 = arith.muli %add3A_78, %mul3A_116 : i32
      %run_scoped3A_118 = arith.constant 0 : i32
      "tpu.region"() ({
        %run_scoped3A_164 = tpu.sem_alloc : memref<!tpu.dma_semaphore, #tpu.memory_space<semaphore_mem>>
        %dma_start3A_165 = arith.constant 0 : i32
        %dma_start3A_166 = arith.constant 0 : i32
        %dma_start3A_167 = tpu.memref_slice %arg12[%run_scoped3A_118, %dma_start3A_165, %dma_start3A_166] : memref<2x128x16xf32, #tpu.memory_space<vmem>> -> memref<1x128x16xf32, #tpu.memory_space<vmem>>
        %dma_start3A_168 = tpu.memref_squeeze %dma_start3A_167 : memref<1x128x16xf32, #tpu.memory_space<vmem>> -> memref<128x16xf32, #tpu.memory_space<vmem>>
        %dma_start3A_169 = arith.constant 0 : i32
        %dma_start3A_170 = tpu.memref_slice %arg8[%mul3A_117, %dma_start3A_169] : memref<262144x16xf32, #tpu.memory_space<hbm>> -> memref<128x16xf32, #tpu.memory_space<hbm>>
        %dma_start3A_171 = arith.constant 0 : i32
        %dma_start3A_172 = tpu.memref_slice %arg8[%mul3A_117, %dma_start3A_171] : memref<262144x16xf32, #tpu.memory_space<hbm>> -> memref<128x16xf32, #tpu.memory_space<hbm>>
        %dma_start3A_173 = arith.constant 0 : i32
        %dma_start3A_174 = arith.constant 0 : i32
        %dma_start3A_175 = tpu.memref_slice %arg12[%run_scoped3A_118, %dma_start3A_173, %dma_start3A_174] : memref<2x128x16xf32, #tpu.memory_space<vmem>> -> memref<1x128x16xf32, #tpu.memory_space<vmem>>
        %dma_start3A_176 = tpu.memref_squeeze %dma_start3A_175 : memref<1x128x16xf32, #tpu.memory_space<vmem>> -> memref<128x16xf32, #tpu.memory_space<vmem>>
        tpu.enqueue_dma source(%dma_start3A_176 : memref<128x16xf32, #tpu.memory_space<vmem>>) target(%dma_start3A_172 : memref<128x16xf32, #tpu.memory_space<hbm>>) target_semaphore(%run_scoped3A_164 : memref<!tpu.dma_semaphore, #tpu.memory_space<semaphore_mem>>)
        %dma_wait3A_177 = arith.constant 0 : i32
        %dma_wait3A_178 = arith.constant 0 : i32
        %dma_wait3A_179 = tpu.memref_slice %arg12[%run_scoped3A_118, %dma_wait3A_177, %dma_wait3A_178] : memref<2x128x16xf32, #tpu.memory_space<vmem>> -> memref<1x128x16xf32, #tpu.memory_space<vmem>>
        %dma_wait3A_180 = tpu.memref_squeeze %dma_wait3A_179 : memref<1x128x16xf32, #tpu.memory_space<vmem>> -> memref<128x16xf32, #tpu.memory_space<vmem>>
        %dma_wait3A_181 = arith.constant 0 : i32
        %dma_wait3A_182 = tpu.memref_slice %arg8[%mul3A_117, %dma_wait3A_181] : memref<262144x16xf32, #tpu.memory_space<hbm>> -> memref<128x16xf32, #tpu.memory_space<hbm>>
        %dma_wait3A_183 = arith.constant 0 : i32
        %dma_wait3A_184 = tpu.memref_slice %arg8[%mul3A_117, %dma_wait3A_183] : memref<262144x16xf32, #tpu.memory_space<hbm>> -> memref<128x16xf32, #tpu.memory_space<hbm>>
        %dma_wait3A_185 = arith.constant 0 : i32
        %dma_wait3A_186 = arith.constant 0 : i32
        %dma_wait3A_187 = tpu.memref_slice %arg12[%run_scoped3A_118, %dma_wait3A_185, %dma_wait3A_186] : memref<2x128x16xf32, #tpu.memory_space<vmem>> -> memref<1x128x16xf32, #tpu.memory_space<vmem>>
        %dma_wait3A_188 = tpu.memref_squeeze %dma_wait3A_187 : memref<1x128x16xf32, #tpu.memory_space<vmem>> -> memref<128x16xf32, #tpu.memory_space<vmem>>
        tpu.wait_dma2 semaphore(%run_scoped3A_164 : memref<!tpu.dma_semaphore, #tpu.memory_space<semaphore_mem>>) src(%dma_wait3A_188 : memref<128x16xf32, #tpu.memory_space<vmem>>) dst(%dma_wait3A_184 : memref<128x16xf32, #tpu.memory_space<hbm>>)
        tpu.yield
      }) : () -> ()
      %add3A_119 = arith.constant 1 : i32
      %add3A_120 = arith.addi %mul3A_10, %add3A_119 : i32
      %add3A_121 = arith.addi %mul3A_2, %add3A_120 : i32
      %dma_wait3A_122 = arith.constant 1 : i32
      %dma_wait3A_123 = arith.constant 0 : i32
      %dma_wait3A_124 = arith.constant 0 : i32
      %dma_wait3A_125 = tpu.memref_slice %arg10[%dma_wait3A_122, %dma_wait3A_123, %dma_wait3A_124] : memref<2x128x128xf32, #tpu.memory_space<vmem>> -> memref<1x128x128xf32, #tpu.memory_space<vmem>>
      %dma_wait3A_126 = tpu.memref_squeeze %dma_wait3A_125 : memref<1x128x128xf32, #tpu.memory_space<vmem>> -> memref<128x128xf32, #tpu.memory_space<vmem>>
      %dma_wait3A_127 = arith.constant 0 : i32
      %dma_wait3A_128 = tpu.memref_slice %arg9[%add3A_44, %dma_wait3A_127] : memref<64x128xi32, #tpu.memory_space<vmem>> -> memref<1x128xi32, #tpu.memory_space<vmem>>
      %dma_wait3A_129 = tpu.memref_squeeze %dma_wait3A_128 : memref<1x128xi32, #tpu.memory_space<vmem>> -> memref<128xi32, #tpu.memory_space<vmem>>
      %dma_wait3A_130 = arith.constant 0 : i32
      %dma_wait3A_131 = arith.constant 0 : i32
      %dma_wait3A_132 = tpu.memref_slice %arg2[%dma_wait3A_130, %dma_wait3A_131] : memref<16384x128xf32, #tpu.memory_space<hbm>> -> memref<16384x128xf32, #tpu.memory_space<hbm>>
      tpu.wait_indirect_dma semaphore(%arg14 : memref<!tpu.dma_semaphore, #tpu.memory_space<semaphore_mem>>) src(%dma_wait3A_132 : memref<16384x128xf32, #tpu.memory_space<hbm>>) dst(%dma_wait3A_126 : memref<128x128xf32, #tpu.memory_space<vmem>>)
      %mul3A_133 = arith.constant 128 : i32
      %mul3A_134 = arith.muli %add3A_121, %mul3A_133 : i32
      %run_scoped3A_135 = arith.constant 1 : i32
      "tpu.region"() ({
        %run_scoped3A_164 = tpu.sem_alloc : memref<!tpu.dma_semaphore, #tpu.memory_space<semaphore_mem>>
        %dma_start3A_165 = arith.constant 0 : i32
        %dma_start3A_166 = arith.constant 0 : i32
        %dma_start3A_167 = tpu.memref_slice %arg10[%run_scoped3A_135, %dma_start3A_165, %dma_start3A_166] : memref<2x128x128xf32, #tpu.memory_space<vmem>> -> memref<1x128x128xf32, #tpu.memory_space<vmem>>
        %dma_start3A_168 = tpu.memref_squeeze %dma_start3A_167 : memref<1x128x128xf32, #tpu.memory_space<vmem>> -> memref<128x128xf32, #tpu.memory_space<vmem>>
        %dma_start3A_169 = arith.constant 0 : i32
        %dma_start3A_170 = tpu.memref_slice %arg6[%mul3A_134, %dma_start3A_169] : memref<262144x128xf32, #tpu.memory_space<hbm>> -> memref<128x128xf32, #tpu.memory_space<hbm>>
        %dma_start3A_171 = arith.constant 0 : i32
        %dma_start3A_172 = tpu.memref_slice %arg6[%mul3A_134, %dma_start3A_171] : memref<262144x128xf32, #tpu.memory_space<hbm>> -> memref<128x128xf32, #tpu.memory_space<hbm>>
        %dma_start3A_173 = arith.constant 0 : i32
        %dma_start3A_174 = arith.constant 0 : i32
        %dma_start3A_175 = tpu.memref_slice %arg10[%run_scoped3A_135, %dma_start3A_173, %dma_start3A_174] : memref<2x128x128xf32, #tpu.memory_space<vmem>> -> memref<1x128x128xf32, #tpu.memory_space<vmem>>
        %dma_start3A_176 = tpu.memref_squeeze %dma_start3A_175 : memref<1x128x128xf32, #tpu.memory_space<vmem>> -> memref<128x128xf32, #tpu.memory_space<vmem>>
        tpu.enqueue_dma source(%dma_start3A_176 : memref<128x128xf32, #tpu.memory_space<vmem>>) target(%dma_start3A_172 : memref<128x128xf32, #tpu.memory_space<hbm>>) target_semaphore(%run_scoped3A_164 : memref<!tpu.dma_semaphore, #tpu.memory_space<semaphore_mem>>)
        %dma_wait3A_177 = arith.constant 0 : i32
        %dma_wait3A_178 = arith.constant 0 : i32
        %dma_wait3A_179 = tpu.memref_slice %arg10[%run_scoped3A_135, %dma_wait3A_177, %dma_wait3A_178] : memref<2x128x128xf32, #tpu.memory_space<vmem>> -> memref<1x128x128xf32, #tpu.memory_space<vmem>>
        %dma_wait3A_180 = tpu.memref_squeeze %dma_wait3A_179 : memref<1x128x128xf32, #tpu.memory_space<vmem>> -> memref<128x128xf32, #tpu.memory_space<vmem>>
        %dma_wait3A_181 = arith.constant 0 : i32
        %dma_wait3A_182 = tpu.memref_slice %arg6[%mul3A_134, %dma_wait3A_181] : memref<262144x128xf32, #tpu.memory_space<hbm>> -> memref<128x128xf32, #tpu.memory_space<hbm>>
        %dma_wait3A_183 = arith.constant 0 : i32
        %dma_wait3A_184 = tpu.memref_slice %arg6[%mul3A_134, %dma_wait3A_183] : memref<262144x128xf32, #tpu.memory_space<hbm>> -> memref<128x128xf32, #tpu.memory_space<hbm>>
        %dma_wait3A_185 = arith.constant 0 : i32
        %dma_wait3A_186 = arith.constant 0 : i32
        %dma_wait3A_187 = tpu.memref_slice %arg10[%run_scoped3A_135, %dma_wait3A_185, %dma_wait3A_186] : memref<2x128x128xf32, #tpu.memory_space<vmem>> -> memref<1x128x128xf32, #tpu.memory_space<vmem>>
        %dma_wait3A_188 = tpu.memref_squeeze %dma_wait3A_187 : memref<1x128x128xf32, #tpu.memory_space<vmem>> -> memref<128x128xf32, #tpu.memory_space<vmem>>
        tpu.wait_dma2 semaphore(%run_scoped3A_164 : memref<!tpu.dma_semaphore, #tpu.memory_space<semaphore_mem>>) src(%dma_wait3A_188 : memref<128x128xf32, #tpu.memory_space<vmem>>) dst(%dma_wait3A_184 : memref<128x128xf32, #tpu.memory_space<hbm>>)
        tpu.yield
      }) : () -> ()
      %dma_wait3A_136 = arith.constant 1 : i32
      %dma_wait3A_137 = arith.constant 0 : i32
      %dma_wait3A_138 = arith.constant 0 : i32
      %dma_wait3A_139 = tpu.memref_slice %arg11[%dma_wait3A_136, %dma_wait3A_137, %dma_wait3A_138] : memref<2x128x128xf32, #tpu.memory_space<vmem>> -> memref<1x128x128xf32, #tpu.memory_space<vmem>>
      %dma_wait3A_140 = tpu.memref_squeeze %dma_wait3A_139 : memref<1x128x128xf32, #tpu.memory_space<vmem>> -> memref<128x128xf32, #tpu.memory_space<vmem>>
      %dma_wait3A_141 = arith.constant 0 : i32
      %dma_wait3A_142 = tpu.memref_slice %arg9[%add3A_44, %dma_wait3A_141] : memref<64x128xi32, #tpu.memory_space<vmem>> -> memref<1x128xi32, #tpu.memory_space<vmem>>
      %dma_wait3A_143 = tpu.memref_squeeze %dma_wait3A_142 : memref<1x128xi32, #tpu.memory_space<vmem>> -> memref<128xi32, #tpu.memory_space<vmem>>
      %dma_wait3A_144 = arith.constant 0 : i32
      %dma_wait3A_145 = arith.constant 0 : i32
      %dma_wait3A_146 = tpu.memref_slice %arg3[%dma_wait3A_144, %dma_wait3A_145] : memref<16384x128xf32, #tpu.memory_space<hbm>> -> memref<16384x128xf32, #tpu.memory_space<hbm>>
      tpu.wait_indirect_dma semaphore(%arg16 : memref<!tpu.dma_semaphore, #tpu.memory_space<semaphore_mem>>) src(%dma_wait3A_146 : memref<16384x128xf32, #tpu.memory_space<hbm>>) dst(%dma_wait3A_140 : memref<128x128xf32, #tpu.memory_space<vmem>>)
      %mul3A_147 = arith.constant 128 : i32
      %mul3A_148 = arith.muli %add3A_121, %mul3A_147 : i32
      %run_scoped3A_149 = arith.constant 1 : i32
      "tpu.region"() ({
        %run_scoped3A_164 = tpu.sem_alloc : memref<!tpu.dma_semaphore, #tpu.memory_space<semaphore_mem>>
        %dma_start3A_165 = arith.constant 0 : i32
        %dma_start3A_166 = arith.constant 0 : i32
        %dma_start3A_167 = tpu.memref_slice %arg11[%run_scoped3A_149, %dma_start3A_165, %dma_start3A_166] : memref<2x128x128xf32, #tpu.memory_space<vmem>> -> memref<1x128x128xf32, #tpu.memory_space<vmem>>
        %dma_start3A_168 = tpu.memref_squeeze %dma_start3A_167 : memref<1x128x128xf32, #tpu.memory_space<vmem>> -> memref<128x128xf32, #tpu.memory_space<vmem>>
        %dma_start3A_169 = arith.constant 0 : i32
        %dma_start3A_170 = tpu.memref_slice %arg7[%mul3A_148, %dma_start3A_169] : memref<262144x128xf32, #tpu.memory_space<hbm>> -> memref<128x128xf32, #tpu.memory_space<hbm>>
        %dma_start3A_171 = arith.constant 0 : i32
        %dma_start3A_172 = tpu.memref_slice %arg7[%mul3A_148, %dma_start3A_171] : memref<262144x128xf32, #tpu.memory_space<hbm>> -> memref<128x128xf32, #tpu.memory_space<hbm>>
        %dma_start3A_173 = arith.constant 0 : i32
        %dma_start3A_174 = arith.constant 0 : i32
        %dma_start3A_175 = tpu.memref_slice %arg11[%run_scoped3A_149, %dma_start3A_173, %dma_start3A_174] : memref<2x128x128xf32, #tpu.memory_space<vmem>> -> memref<1x128x128xf32, #tpu.memory_space<vmem>>
        %dma_start3A_176 = tpu.memref_squeeze %dma_start3A_175 : memref<1x128x128xf32, #tpu.memory_space<vmem>> -> memref<128x128xf32, #tpu.memory_space<vmem>>
        tpu.enqueue_dma source(%dma_start3A_176 : memref<128x128xf32, #tpu.memory_space<vmem>>) target(%dma_start3A_172 : memref<128x128xf32, #tpu.memory_space<hbm>>) target_semaphore(%run_scoped3A_164 : memref<!tpu.dma_semaphore, #tpu.memory_space<semaphore_mem>>)
        %dma_wait3A_177 = arith.constant 0 : i32
        %dma_wait3A_178 = arith.constant 0 : i32
        %dma_wait3A_179 = tpu.memref_slice %arg11[%run_scoped3A_149, %dma_wait3A_177, %dma_wait3A_178] : memref<2x128x128xf32, #tpu.memory_space<vmem>> -> memref<1x128x128xf32, #tpu.memory_space<vmem>>
        %dma_wait3A_180 = tpu.memref_squeeze %dma_wait3A_179 : memref<1x128x128xf32, #tpu.memory_space<vmem>> -> memref<128x128xf32, #tpu.memory_space<vmem>>
        %dma_wait3A_181 = arith.constant 0 : i32
        %dma_wait3A_182 = tpu.memref_slice %arg7[%mul3A_148, %dma_wait3A_181] : memref<262144x128xf32, #tpu.memory_space<hbm>> -> memref<128x128xf32, #tpu.memory_space<hbm>>
        %dma_wait3A_183 = arith.constant 0 : i32
        %dma_wait3A_184 = tpu.memref_slice %arg7[%mul3A_148, %dma_wait3A_183] : memref<262144x128xf32, #tpu.memory_space<hbm>> -> memref<128x128xf32, #tpu.memory_space<hbm>>
        %dma_wait3A_185 = arith.constant 0 : i32
        %dma_wait3A_186 = arith.constant 0 : i32
        %dma_wait3A_187 = tpu.memref_slice %arg11[%run_scoped3A_149, %dma_wait3A_185, %dma_wait3A_186] : memref<2x128x128xf32, #tpu.memory_space<vmem>> -> memref<1x128x128xf32, #tpu.memory_space<vmem>>
        %dma_wait3A_188 = tpu.memref_squeeze %dma_wait3A_187 : memref<1x128x128xf32, #tpu.memory_space<vmem>> -> memref<128x128xf32, #tpu.memory_space<vmem>>
        tpu.wait_dma2 semaphore(%run_scoped3A_164 : memref<!tpu.dma_semaphore, #tpu.memory_space<semaphore_mem>>) src(%dma_wait3A_188 : memref<128x128xf32, #tpu.memory_space<vmem>>) dst(%dma_wait3A_184 : memref<128x128xf32, #tpu.memory_space<hbm>>)
        tpu.yield
      }) : () -> ()
      %dma_wait3A_150 = arith.constant 1 : i32
      %dma_wait3A_151 = arith.constant 0 : i32
      %dma_wait3A_152 = arith.constant 0 : i32
      %dma_wait3A_153 = tpu.memref_slice %arg12[%dma_wait3A_150, %dma_wait3A_151, %dma_wait3A_152] : memref<2x128x16xf32, #tpu.memory_space<vmem>> -> memref<1x128x16xf32, #tpu.memory_space<vmem>>
      %dma_wait3A_154 = tpu.memref_squeeze %dma_wait3A_153 : memref<1x128x16xf32, #tpu.memory_space<vmem>> -> memref<128x16xf32, #tpu.memory_space<vmem>>
      %dma_wait3A_155 = arith.constant 0 : i32
      %dma_wait3A_156 = tpu.memref_slice %arg9[%add3A_44, %dma_wait3A_155] : memref<64x128xi32, #tpu.memory_space<vmem>> -> memref<1x128xi32, #tpu.memory_space<vmem>>
      %dma_wait3A_157 = tpu.memref_squeeze %dma_wait3A_156 : memref<1x128xi32, #tpu.memory_space<vmem>> -> memref<128xi32, #tpu.memory_space<vmem>>
      %dma_wait3A_158 = arith.constant 0 : i32
      %dma_wait3A_159 = arith.constant 0 : i32
      %dma_wait3A_160 = tpu.memref_slice %arg4[%dma_wait3A_158, %dma_wait3A_159] : memref<16384x16xf32, #tpu.memory_space<hbm>> -> memref<16384x16xf32, #tpu.memory_space<hbm>>
      tpu.wait_indirect_dma semaphore(%arg18 : memref<!tpu.dma_semaphore, #tpu.memory_space<semaphore_mem>>) src(%dma_wait3A_160 : memref<16384x16xf32, #tpu.memory_space<hbm>>) dst(%dma_wait3A_154 : memref<128x16xf32, #tpu.memory_space<vmem>>)
      %mul3A_161 = arith.constant 128 : i32
      %mul3A_162 = arith.muli %add3A_121, %mul3A_161 : i32
      %run_scoped3A_163 = arith.constant 1 : i32
      "tpu.region"() ({
        %run_scoped3A_164 = tpu.sem_alloc : memref<!tpu.dma_semaphore, #tpu.memory_space<semaphore_mem>>
        %dma_start3A_165 = arith.constant 0 : i32
        %dma_start3A_166 = arith.constant 0 : i32
        %dma_start3A_167 = tpu.memref_slice %arg12[%run_scoped3A_163, %dma_start3A_165, %dma_start3A_166] : memref<2x128x16xf32, #tpu.memory_space<vmem>> -> memref<1x128x16xf32, #tpu.memory_space<vmem>>
        %dma_start3A_168 = tpu.memref_squeeze %dma_start3A_167 : memref<1x128x16xf32, #tpu.memory_space<vmem>> -> memref<128x16xf32, #tpu.memory_space<vmem>>
        %dma_start3A_169 = arith.constant 0 : i32
        %dma_start3A_170 = tpu.memref_slice %arg8[%mul3A_162, %dma_start3A_169] : memref<262144x16xf32, #tpu.memory_space<hbm>> -> memref<128x16xf32, #tpu.memory_space<hbm>>
        %dma_start3A_171 = arith.constant 0 : i32
        %dma_start3A_172 = tpu.memref_slice %arg8[%mul3A_162, %dma_start3A_171] : memref<262144x16xf32, #tpu.memory_space<hbm>> -> memref<128x16xf32, #tpu.memory_space<hbm>>
        %dma_start3A_173 = arith.constant 0 : i32
        %dma_start3A_174 = arith.constant 0 : i32
        %dma_start3A_175 = tpu.memref_slice %arg12[%run_scoped3A_163, %dma_start3A_173, %dma_start3A_174] : memref<2x128x16xf32, #tpu.memory_space<vmem>> -> memref<1x128x16xf32, #tpu.memory_space<vmem>>
        %dma_start3A_176 = tpu.memref_squeeze %dma_start3A_175 : memref<1x128x16xf32, #tpu.memory_space<vmem>> -> memref<128x16xf32, #tpu.memory_space<vmem>>
        tpu.enqueue_dma source(%dma_start3A_176 : memref<128x16xf32, #tpu.memory_space<vmem>>) target(%dma_start3A_172 : memref<128x16xf32, #tpu.memory_space<hbm>>) target_semaphore(%run_scoped3A_164 : memref<!tpu.dma_semaphore, #tpu.memory_space<semaphore_mem>>)
        %dma_wait3A_177 = arith.constant 0 : i32
        %dma_wait3A_178 = arith.constant 0 : i32
        %dma_wait3A_179 = tpu.memref_slice %arg12[%run_scoped3A_163, %dma_wait3A_177, %dma_wait3A_178] : memref<2x128x16xf32, #tpu.memory_space<vmem>> -> memref<1x128x16xf32, #tpu.memory_space<vmem>>
        %dma_wait3A_180 = tpu.memref_squeeze %dma_wait3A_179 : memref<1x128x16xf32, #tpu.memory_space<vmem>> -> memref<128x16xf32, #tpu.memory_space<vmem>>
        %dma_wait3A_181 = arith.constant 0 : i32
        %dma_wait3A_182 = tpu.memref_slice %arg8[%mul3A_162, %dma_wait3A_181] : memref<262144x16xf32, #tpu.memory_space<hbm>> -> memref<128x16xf32, #tpu.memory_space<hbm>>
        %dma_wait3A_183 = arith.constant 0 : i32
        %dma_wait3A_184 = tpu.memref_slice %arg8[%mul3A_162, %dma_wait3A_183] : memref<262144x16xf32, #tpu.memory_space<hbm>> -> memref<128x16xf32, #tpu.memory_space<hbm>>
        %dma_wait3A_185 = arith.constant 0 : i32
        %dma_wait3A_186 = arith.constant 0 : i32
        %dma_wait3A_187 = tpu.memref_slice %arg12[%run_scoped3A_163, %dma_wait3A_185, %dma_wait3A_186] : memref<2x128x16xf32, #tpu.memory_space<vmem>> -> memref<1x128x16xf32, #tpu.memory_space<vmem>>
        %dma_wait3A_188 = tpu.memref_squeeze %dma_wait3A_187 : memref<1x128x16xf32, #tpu.memory_space<vmem>> -> memref<128x16xf32, #tpu.memory_space<vmem>>
        tpu.wait_dma2 semaphore(%run_scoped3A_164 : memref<!tpu.dma_semaphore, #tpu.memory_space<semaphore_mem>>) src(%dma_wait3A_188 : memref<128x16xf32, #tpu.memory_space<vmem>>) dst(%dma_wait3A_184 : memref<128x16xf32, #tpu.memory_space<hbm>>)
        tpu.yield
      }) : () -> ()
    }
    %scan3A_7 = arith.constant 32 : i32
    return
  }
}

module attributes {stable_mosaic.version = 14 : i64} {
  func.func @_knn_body(%arg0: i32, %arg1: i32, %arg2: memref<1x4096x16xf32, #tpu.memory_space<vmem>>, %arg3: memref<1x512x16xf32, #tpu.memory_space<vmem>>, %arg4: memref<1x512x16xi32, #tpu.memory_space<vmem>>) attributes {dimension_semantics = [#tpu.dimension_semantics<arbitrary>, #tpu.dimension_semantics<arbitrary>], iteration_bounds = array<i64: 4, 8>, scalar_prefetch = 0 : i64, scratch_operands = 0 : i64, tpu.core_type = #tpu.core_type<tc>, window_params = [{transform_indices = @transform_0, window_bounds = array<i64: 1, 4096, 16>}, {transform_indices = @transform_1, window_bounds = array<i64: 1, 512, 16>}, {transform_indices = @transform_2, window_bounds = array<i64: 1, 512, 16>}]} {
    %get3A = arith.constant 0 : index
    %get3A_0 = arith.constant 0 : index
    %get3A_1 = arith.constant 0 : index
    %get3A_2 = vector.load %arg2[%get3A, %get3A_0, %get3A_1] : memref<1x4096x16xf32, #tpu.memory_space<vmem>>, vector<1x4096x16xf32>
    %get3A_3 = vector.shape_cast %get3A_2 : vector<1x4096x16xf32> to vector<4096x16xf32>
    %get3A_4 = arith.constant 0 : index
    %get3A_5 = arith.constant 0 : index
    %get3A_6 = arith.constant 0 : index
    %get3A_7 = vector.load %arg3[%get3A_4, %get3A_5, %get3A_6] : memref<1x512x16xf32, #tpu.memory_space<vmem>>, vector<1x512x16xf32>
    %get3A_8 = vector.shape_cast %get3A_7 : vector<1x512x16xf32> to vector<512x16xf32>
    %mul3A = arith.mulf %get3A_3, %get3A_3 : vector<4096x16xf32>
    %reduce_sum3A = arith.constant dense<0.000000e+00> : vector<4096xf32>
    %reduce_sum3A_9 = vector.multi_reduction <add>, %mul3A, %reduce_sum3A [1] : vector<4096x16xf32> to vector<4096xf32>
    %mul3A_10 = arith.mulf %get3A_8, %get3A_8 : vector<512x16xf32>
    %reduce_sum3A_11 = arith.constant dense<0.000000e+00> : vector<512xf32>
    %reduce_sum3A_12 = vector.multi_reduction <add>, %mul3A_10, %reduce_sum3A_11 [1] : vector<512x16xf32> to vector<512xf32>
    %convert_element_type3A = arith.truncf %get3A_8 : vector<512x16xf32> to vector<512x16xbf16>
    %convert_element_type3A_13 = arith.truncf %get3A_3 : vector<4096x16xf32> to vector<4096x16xbf16>
    %dot_general3A = arith.constant dense<0.000000e+00> : vector<512x4096xf32>
    %dot_general3A_14 = tpu.matmul %convert_element_type3A, %convert_element_type3A_13, %dot_general3A {dimension_numbers = #tpu.dot_dimension_numbers<[1], [1], [0], [0], [0, 0, 1, 0], [], []>, transpose_lhs_hint = false} : vector<512x16xbf16>, vector<4096x16xbf16>, vector<512x4096xf32> -> vector<512x4096xf32>
    %broadcast_in_dim3A = vector.shape_cast %reduce_sum3A_12 : vector<512xf32> to vector<512x1xf32>
    %broadcast_in_dim3A_15 = vector.shape_cast %reduce_sum3A_9 : vector<4096xf32> to vector<1x4096xf32>
    %add3A = vector.broadcast %broadcast_in_dim3A : vector<512x1xf32> to vector<512x4096xf32>
    %add3A_16 = vector.broadcast %broadcast_in_dim3A_15 : vector<1x4096xf32> to vector<512x4096xf32>
    %add3A_17 = arith.addf %add3A, %add3A_16 : vector<512x4096xf32>
    %mul3A_18 = arith.constant 2.000000e+00 : f32
    %mul3A_19 = vector.broadcast %mul3A_18 : f32 to vector<512x4096xf32>
    %mul3A_20 = arith.mulf %mul3A_19, %dot_general3A_14 : vector<512x4096xf32>
    %sub3A = arith.subf %add3A_17, %mul3A_20 : vector<512x4096xf32>
    %max3A = arith.constant 0.000000e+00 : f32
    %max3A_21 = vector.broadcast %max3A : f32 to vector<512x4096xf32>
    %max3A_22 = arith.maximumf %sub3A, %max3A_21 : vector<512x4096xf32>
    %bitcast_convert_type3A = tpu.bitcast %max3A_22 : vector<512x4096xf32> -> vector<512x4096xi32>
    %iota3A = tpu.iota {dimensions = array<i32: 1>} : vector<512x4096xi32>
    %and3A = arith.constant -32 : i32
    %and3A_23 = vector.broadcast %and3A : i32 to vector<512x4096xi32>
    %and3A_24 = arith.andi %bitcast_convert_type3A, %and3A_23 : vector<512x4096xi32>
    %shift_right_arithmetic3A = arith.constant 7 : i32
    %shift_right_arithmetic3A_25 = vector.broadcast %shift_right_arithmetic3A : i32 to vector<512x4096xi32>
    %shift_right_arithmetic3A_26 = arith.shrsi %iota3A, %shift_right_arithmetic3A_25 : vector<512x4096xi32>
    %or3A = arith.ori %and3A_24, %shift_right_arithmetic3A_26 : vector<512x4096xi32>
    %mul3A_27 = arith.constant 4096 : i32
    %mul3A_28 = arith.muli %arg0, %mul3A_27 : i32
    %reshape3A = vector.shape_cast %or3A : vector<512x4096xi32> to vector<512x32x128xi32>
    %slice3A = vector.extract_strided_slice %reshape3A {offsets = [0, 0, 0], sizes = [512, 16, 128], strides = [1, 1, 1]} : vector<512x32x128xi32> to vector<512x16x128xi32>
    %slice3A_29 = vector.extract_strided_slice %reshape3A {offsets = [0, 16, 0], sizes = [512, 16, 128], strides = [1, 1, 1]} : vector<512x32x128xi32> to vector<512x16x128xi32>
    %min3A = arith.minsi %slice3A, %slice3A_29 : vector<512x16x128xi32>
    %slice3A_30 = vector.extract_strided_slice %min3A {offsets = [0, 0, 0], sizes = [512, 8, 128], strides = [1, 1, 1]} : vector<512x16x128xi32> to vector<512x8x128xi32>
    %slice3A_31 = vector.extract_strided_slice %min3A {offsets = [0, 8, 0], sizes = [512, 8, 128], strides = [1, 1, 1]} : vector<512x16x128xi32> to vector<512x8x128xi32>
    %min3A_32 = arith.minsi %slice3A_30, %slice3A_31 : vector<512x8x128xi32>
    %slice3A_33 = vector.extract_strided_slice %min3A_32 {offsets = [0, 0, 0], sizes = [512, 4, 128], strides = [1, 1, 1]} : vector<512x8x128xi32> to vector<512x4x128xi32>
    %slice3A_34 = vector.extract_strided_slice %min3A_32 {offsets = [0, 4, 0], sizes = [512, 4, 128], strides = [1, 1, 1]} : vector<512x8x128xi32> to vector<512x4x128xi32>
    %min3A_35 = arith.minsi %slice3A_33, %slice3A_34 : vector<512x4x128xi32>
    %slice3A_36 = vector.extract_strided_slice %min3A_35 {offsets = [0, 0, 0], sizes = [512, 2, 128], strides = [1, 1, 1]} : vector<512x4x128xi32> to vector<512x2x128xi32>
    %slice3A_37 = vector.extract_strided_slice %min3A_35 {offsets = [0, 2, 0], sizes = [512, 2, 128], strides = [1, 1, 1]} : vector<512x4x128xi32> to vector<512x2x128xi32>
    %min3A_38 = arith.minsi %slice3A_36, %slice3A_37 : vector<512x2x128xi32>
    %slice3A_39 = vector.extract_strided_slice %min3A_38 {offsets = [0, 0, 0], sizes = [512, 1, 128], strides = [1, 1, 1]} : vector<512x2x128xi32> to vector<512x1x128xi32>
    %slice3A_40 = vector.extract_strided_slice %min3A_38 {offsets = [0, 1, 0], sizes = [512, 1, 128], strides = [1, 1, 1]} : vector<512x2x128xi32> to vector<512x1x128xi32>
    %min3A_41 = arith.minsi %slice3A_39, %slice3A_40 : vector<512x1x128xi32>
    %reshape3A_42 = vector.shape_cast %min3A_41 : vector<512x1x128xi32> to vector<512x128xi32>
    %eq3A = vector.broadcast %min3A_41 : vector<512x1x128xi32> to vector<512x32x128xi32>
    %eq3A_43 = arith.cmpi eq, %reshape3A, %eq3A : vector<512x32x128xi32>
    %jit3A = arith.constant 2147483647 : i32
    %broadcast_in_dim3A_44 = vector.broadcast %jit3A : i32 to vector<512x32x128xi32>
    %select_n3A = arith.select %eq3A_43, %broadcast_in_dim3A_44, %reshape3A : vector<512x32x128xi1>, vector<512x32x128xi32>
    %slice3A_45 = vector.extract_strided_slice %select_n3A {offsets = [0, 0, 0], sizes = [512, 16, 128], strides = [1, 1, 1]} : vector<512x32x128xi32> to vector<512x16x128xi32>
    %slice3A_46 = vector.extract_strided_slice %select_n3A {offsets = [0, 16, 0], sizes = [512, 16, 128], strides = [1, 1, 1]} : vector<512x32x128xi32> to vector<512x16x128xi32>
    %min3A_47 = arith.minsi %slice3A_45, %slice3A_46 : vector<512x16x128xi32>
    %slice3A_48 = vector.extract_strided_slice %min3A_47 {offsets = [0, 0, 0], sizes = [512, 8, 128], strides = [1, 1, 1]} : vector<512x16x128xi32> to vector<512x8x128xi32>
    %slice3A_49 = vector.extract_strided_slice %min3A_47 {offsets = [0, 8, 0], sizes = [512, 8, 128], strides = [1, 1, 1]} : vector<512x16x128xi32> to vector<512x8x128xi32>
    %min3A_50 = arith.minsi %slice3A_48, %slice3A_49 : vector<512x8x128xi32>
    %slice3A_51 = vector.extract_strided_slice %min3A_50 {offsets = [0, 0, 0], sizes = [512, 4, 128], strides = [1, 1, 1]} : vector<512x8x128xi32> to vector<512x4x128xi32>
    %slice3A_52 = vector.extract_strided_slice %min3A_50 {offsets = [0, 4, 0], sizes = [512, 4, 128], strides = [1, 1, 1]} : vector<512x8x128xi32> to vector<512x4x128xi32>
    %min3A_53 = arith.minsi %slice3A_51, %slice3A_52 : vector<512x4x128xi32>
    %slice3A_54 = vector.extract_strided_slice %min3A_53 {offsets = [0, 0, 0], sizes = [512, 2, 128], strides = [1, 1, 1]} : vector<512x4x128xi32> to vector<512x2x128xi32>
    %slice3A_55 = vector.extract_strided_slice %min3A_53 {offsets = [0, 2, 0], sizes = [512, 2, 128], strides = [1, 1, 1]} : vector<512x4x128xi32> to vector<512x2x128xi32>
    %min3A_56 = arith.minsi %slice3A_54, %slice3A_55 : vector<512x2x128xi32>
    %slice3A_57 = vector.extract_strided_slice %min3A_56 {offsets = [0, 0, 0], sizes = [512, 1, 128], strides = [1, 1, 1]} : vector<512x2x128xi32> to vector<512x1x128xi32>
    %slice3A_58 = vector.extract_strided_slice %min3A_56 {offsets = [0, 1, 0], sizes = [512, 1, 128], strides = [1, 1, 1]} : vector<512x2x128xi32> to vector<512x1x128xi32>
    %min3A_59 = arith.minsi %slice3A_57, %slice3A_58 : vector<512x1x128xi32>
    %reshape3A_60 = vector.shape_cast %min3A_59 : vector<512x1x128xi32> to vector<512x128xi32>
    %eq3A_61 = vector.broadcast %min3A_59 : vector<512x1x128xi32> to vector<512x32x128xi32>
    %eq3A_62 = arith.cmpi eq, %select_n3A, %eq3A_61 : vector<512x32x128xi32>
    %jit3A_63 = arith.constant 2147483647 : i32
    %broadcast_in_dim3A_64 = vector.broadcast %jit3A_63 : i32 to vector<512x32x128xi32>
    %select_n3A_65 = arith.select %eq3A_62, %broadcast_in_dim3A_64, %select_n3A : vector<512x32x128xi1>, vector<512x32x128xi32>
    %slice3A_66 = vector.extract_strided_slice %select_n3A_65 {offsets = [0, 0, 0], sizes = [512, 16, 128], strides = [1, 1, 1]} : vector<512x32x128xi32> to vector<512x16x128xi32>
    %slice3A_67 = vector.extract_strided_slice %select_n3A_65 {offsets = [0, 16, 0], sizes = [512, 16, 128], strides = [1, 1, 1]} : vector<512x32x128xi32> to vector<512x16x128xi32>
    %min3A_68 = arith.minsi %slice3A_66, %slice3A_67 : vector<512x16x128xi32>
    %slice3A_69 = vector.extract_strided_slice %min3A_68 {offsets = [0, 0, 0], sizes = [512, 8, 128], strides = [1, 1, 1]} : vector<512x16x128xi32> to vector<512x8x128xi32>
    %slice3A_70 = vector.extract_strided_slice %min3A_68 {offsets = [0, 8, 0], sizes = [512, 8, 128], strides = [1, 1, 1]} : vector<512x16x128xi32> to vector<512x8x128xi32>
    %min3A_71 = arith.minsi %slice3A_69, %slice3A_70 : vector<512x8x128xi32>
    %slice3A_72 = vector.extract_strided_slice %min3A_71 {offsets = [0, 0, 0], sizes = [512, 4, 128], strides = [1, 1, 1]} : vector<512x8x128xi32> to vector<512x4x128xi32>
    %slice3A_73 = vector.extract_strided_slice %min3A_71 {offsets = [0, 4, 0], sizes = [512, 4, 128], strides = [1, 1, 1]} : vector<512x8x128xi32> to vector<512x4x128xi32>
    %min3A_74 = arith.minsi %slice3A_72, %slice3A_73 : vector<512x4x128xi32>
    %slice3A_75 = vector.extract_strided_slice %min3A_74 {offsets = [0, 0, 0], sizes = [512, 2, 128], strides = [1, 1, 1]} : vector<512x4x128xi32> to vector<512x2x128xi32>
    %slice3A_76 = vector.extract_strided_slice %min3A_74 {offsets = [0, 2, 0], sizes = [512, 2, 128], strides = [1, 1, 1]} : vector<512x4x128xi32> to vector<512x2x128xi32>
    %min3A_77 = arith.minsi %slice3A_75, %slice3A_76 : vector<512x2x128xi32>
    %slice3A_78 = vector.extract_strided_slice %min3A_77 {offsets = [0, 0, 0], sizes = [512, 1, 128], strides = [1, 1, 1]} : vector<512x2x128xi32> to vector<512x1x128xi32>
    %slice3A_79 = vector.extract_strided_slice %min3A_77 {offsets = [0, 1, 0], sizes = [512, 1, 128], strides = [1, 1, 1]} : vector<512x2x128xi32> to vector<512x1x128xi32>
    %min3A_80 = arith.minsi %slice3A_78, %slice3A_79 : vector<512x1x128xi32>
    %reshape3A_81 = vector.shape_cast %min3A_80 : vector<512x1x128xi32> to vector<512x128xi32>
    %eq3A_82 = vector.broadcast %min3A_80 : vector<512x1x128xi32> to vector<512x32x128xi32>
    %eq3A_83 = arith.cmpi eq, %select_n3A_65, %eq3A_82 : vector<512x32x128xi32>
    %jit3A_84 = arith.constant 2147483647 : i32
    %broadcast_in_dim3A_85 = vector.broadcast %jit3A_84 : i32 to vector<512x32x128xi32>
    %select_n3A_86 = arith.select %eq3A_83, %broadcast_in_dim3A_85, %select_n3A_65 : vector<512x32x128xi1>, vector<512x32x128xi32>
    %slice3A_87 = vector.extract_strided_slice %select_n3A_86 {offsets = [0, 0, 0], sizes = [512, 16, 128], strides = [1, 1, 1]} : vector<512x32x128xi32> to vector<512x16x128xi32>
    %slice3A_88 = vector.extract_strided_slice %select_n3A_86 {offsets = [0, 16, 0], sizes = [512, 16, 128], strides = [1, 1, 1]} : vector<512x32x128xi32> to vector<512x16x128xi32>
    %min3A_89 = arith.minsi %slice3A_87, %slice3A_88 : vector<512x16x128xi32>
    %slice3A_90 = vector.extract_strided_slice %min3A_89 {offsets = [0, 0, 0], sizes = [512, 8, 128], strides = [1, 1, 1]} : vector<512x16x128xi32> to vector<512x8x128xi32>
    %slice3A_91 = vector.extract_strided_slice %min3A_89 {offsets = [0, 8, 0], sizes = [512, 8, 128], strides = [1, 1, 1]} : vector<512x16x128xi32> to vector<512x8x128xi32>
    %min3A_92 = arith.minsi %slice3A_90, %slice3A_91 : vector<512x8x128xi32>
    %slice3A_93 = vector.extract_strided_slice %min3A_92 {offsets = [0, 0, 0], sizes = [512, 4, 128], strides = [1, 1, 1]} : vector<512x8x128xi32> to vector<512x4x128xi32>
    %slice3A_94 = vector.extract_strided_slice %min3A_92 {offsets = [0, 4, 0], sizes = [512, 4, 128], strides = [1, 1, 1]} : vector<512x8x128xi32> to vector<512x4x128xi32>
    %min3A_95 = arith.minsi %slice3A_93, %slice3A_94 : vector<512x4x128xi32>
    %slice3A_96 = vector.extract_strided_slice %min3A_95 {offsets = [0, 0, 0], sizes = [512, 2, 128], strides = [1, 1, 1]} : vector<512x4x128xi32> to vector<512x2x128xi32>
    %slice3A_97 = vector.extract_strided_slice %min3A_95 {offsets = [0, 2, 0], sizes = [512, 2, 128], strides = [1, 1, 1]} : vector<512x4x128xi32> to vector<512x2x128xi32>
    %min3A_98 = arith.minsi %slice3A_96, %slice3A_97 : vector<512x2x128xi32>
    %slice3A_99 = vector.extract_strided_slice %min3A_98 {offsets = [0, 0, 0], sizes = [512, 1, 128], strides = [1, 1, 1]} : vector<512x2x128xi32> to vector<512x1x128xi32>
    %slice3A_100 = vector.extract_strided_slice %min3A_98 {offsets = [0, 1, 0], sizes = [512, 1, 128], strides = [1, 1, 1]} : vector<512x2x128xi32> to vector<512x1x128xi32>
    %min3A_101 = arith.minsi %slice3A_99, %slice3A_100 : vector<512x1x128xi32>
    %reshape3A_102 = vector.shape_cast %min3A_101 : vector<512x1x128xi32> to vector<512x128xi32>
    %concatenate3A = tpu.concatenate %reshape3A_42, %reshape3A_60, %reshape3A_81, %reshape3A_102 in 1 : vector<512x128xi32>, vector<512x128xi32>, vector<512x128xi32>, vector<512x128xi32> -> vector<512x512xi32>
    %iota3A_103 = tpu.iota {dimensions = array<i32: 1>} : vector<512x512xi32>
    %reduce_min3A = arith.constant dense<2147483647> : vector<512xi32>
    %reduce_min3A_104 = vector.multi_reduction <minsi>, %concatenate3A, %reduce_min3A [1] : vector<512x512xi32> to vector<512xi32>
    %broadcast_in_dim3A_105 = vector.shape_cast %reduce_min3A_104 : vector<512xi32> to vector<512x1xi32>
    %eq3A_106 = vector.broadcast %broadcast_in_dim3A_105 : vector<512x1xi32> to vector<512x512xi32>
    %eq3A_107 = arith.cmpi eq, %concatenate3A, %eq3A_106 : vector<512x512xi32>
    %jit3A_108 = arith.constant 2147483647 : i32
    %broadcast_in_dim3A_109 = vector.broadcast %jit3A_108 : i32 to vector<512x512xi32>
    %select_n3A_110 = arith.select %eq3A_107, %iota3A_103, %broadcast_in_dim3A_109 : vector<512x512xi1>, vector<512x512xi32>
    %reduce_min3A_111 = arith.constant dense<2147483647> : vector<512xi32>
    %reduce_min3A_112 = vector.multi_reduction <minsi>, %select_n3A_110, %reduce_min3A_111 [1] : vector<512x512xi32> to vector<512xi32>
    %and3A_113 = arith.constant 31 : i32
    %and3A_114 = vector.broadcast %and3A_113 : i32 to vector<512xi32>
    %and3A_115 = arith.andi %reduce_min3A_104, %and3A_114 : vector<512xi32>
    %shift_left3A = arith.constant 7 : i32
    %shift_left3A_116 = vector.broadcast %shift_left3A : i32 to vector<512xi32>
    %shift_left3A_117 = arith.shli %and3A_115, %shift_left3A_116 : vector<512xi32>
    %and3A_118 = arith.constant 127 : i32
    %and3A_119 = vector.broadcast %and3A_118 : i32 to vector<512xi32>
    %and3A_120 = arith.andi %reduce_min3A_112, %and3A_119 : vector<512xi32>
    %add3A_121 = arith.addi %shift_left3A_117, %and3A_120 : vector<512xi32>
    %add3A_122 = vector.broadcast %mul3A_28 : i32 to vector<512xi32>
    %add3A_123 = arith.addi %add3A_121, %add3A_122 : vector<512xi32>
    %broadcast_in_dim3A_124 = vector.shape_cast %reduce_min3A_112 : vector<512xi32> to vector<512x1xi32>
    %eq3A_125 = vector.broadcast %broadcast_in_dim3A_124 : vector<512x1xi32> to vector<512x512xi32>
    %eq3A_126 = arith.cmpi eq, %iota3A_103, %eq3A_125 : vector<512x512xi32>
    %and3A_127 = arith.andi %eq3A_107, %eq3A_126 : vector<512x512xi1>
    %jit3A_128 = arith.constant 2147483647 : i32
    %broadcast_in_dim3A_129 = vector.broadcast %jit3A_128 : i32 to vector<512x512xi32>
    %select_n3A_130 = arith.select %and3A_127, %broadcast_in_dim3A_129, %concatenate3A : vector<512x512xi1>, vector<512x512xi32>
    %reduce_min3A_131 = arith.constant dense<2147483647> : vector<512xi32>
    %reduce_min3A_132 = vector.multi_reduction <minsi>, %select_n3A_130, %reduce_min3A_131 [1] : vector<512x512xi32> to vector<512xi32>
    %broadcast_in_dim3A_133 = vector.shape_cast %reduce_min3A_132 : vector<512xi32> to vector<512x1xi32>
    %eq3A_134 = vector.broadcast %broadcast_in_dim3A_133 : vector<512x1xi32> to vector<512x512xi32>
    %eq3A_135 = arith.cmpi eq, %select_n3A_130, %eq3A_134 : vector<512x512xi32>
    %jit3A_136 = arith.constant 2147483647 : i32
    %broadcast_in_dim3A_137 = vector.broadcast %jit3A_136 : i32 to vector<512x512xi32>
    %select_n3A_138 = arith.select %eq3A_135, %iota3A_103, %broadcast_in_dim3A_137 : vector<512x512xi1>, vector<512x512xi32>
    %reduce_min3A_139 = arith.constant dense<2147483647> : vector<512xi32>
    %reduce_min3A_140 = vector.multi_reduction <minsi>, %select_n3A_138, %reduce_min3A_139 [1] : vector<512x512xi32> to vector<512xi32>
    %and3A_141 = arith.constant 31 : i32
    %and3A_142 = vector.broadcast %and3A_141 : i32 to vector<512xi32>
    %and3A_143 = arith.andi %reduce_min3A_132, %and3A_142 : vector<512xi32>
    %shift_left3A_144 = arith.constant 7 : i32
    %shift_left3A_145 = vector.broadcast %shift_left3A_144 : i32 to vector<512xi32>
    %shift_left3A_146 = arith.shli %and3A_143, %shift_left3A_145 : vector<512xi32>
    %and3A_147 = arith.constant 127 : i32
    %and3A_148 = vector.broadcast %and3A_147 : i32 to vector<512xi32>
    %and3A_149 = arith.andi %reduce_min3A_140, %and3A_148 : vector<512xi32>
    %add3A_150 = arith.addi %shift_left3A_146, %and3A_149 : vector<512xi32>
    %add3A_151 = vector.broadcast %mul3A_28 : i32 to vector<512xi32>
    %add3A_152 = arith.addi %add3A_150, %add3A_151 : vector<512xi32>
    %broadcast_in_dim3A_153 = vector.shape_cast %reduce_min3A_140 : vector<512xi32> to vector<512x1xi32>
    %eq3A_154 = vector.broadcast %broadcast_in_dim3A_153 : vector<512x1xi32> to vector<512x512xi32>
    %eq3A_155 = arith.cmpi eq, %iota3A_103, %eq3A_154 : vector<512x512xi32>
    %and3A_156 = arith.andi %eq3A_135, %eq3A_155 : vector<512x512xi1>
    %jit3A_157 = arith.constant 2147483647 : i32
    %broadcast_in_dim3A_158 = vector.broadcast %jit3A_157 : i32 to vector<512x512xi32>
    %select_n3A_159 = arith.select %and3A_156, %broadcast_in_dim3A_158, %select_n3A_130 : vector<512x512xi1>, vector<512x512xi32>
    %reduce_min3A_160 = arith.constant dense<2147483647> : vector<512xi32>
    %reduce_min3A_161 = vector.multi_reduction <minsi>, %select_n3A_159, %reduce_min3A_160 [1] : vector<512x512xi32> to vector<512xi32>
    %broadcast_in_dim3A_162 = vector.shape_cast %reduce_min3A_161 : vector<512xi32> to vector<512x1xi32>
    %eq3A_163 = vector.broadcast %broadcast_in_dim3A_162 : vector<512x1xi32> to vector<512x512xi32>
    %eq3A_164 = arith.cmpi eq, %select_n3A_159, %eq3A_163 : vector<512x512xi32>
    %jit3A_165 = arith.constant 2147483647 : i32
    %broadcast_in_dim3A_166 = vector.broadcast %jit3A_165 : i32 to vector<512x512xi32>
    %select_n3A_167 = arith.select %eq3A_164, %iota3A_103, %broadcast_in_dim3A_166 : vector<512x512xi1>, vector<512x512xi32>
    %reduce_min3A_168 = arith.constant dense<2147483647> : vector<512xi32>
    %reduce_min3A_169 = vector.multi_reduction <minsi>, %select_n3A_167, %reduce_min3A_168 [1] : vector<512x512xi32> to vector<512xi32>
    %and3A_170 = arith.constant 31 : i32
    %and3A_171 = vector.broadcast %and3A_170 : i32 to vector<512xi32>
    %and3A_172 = arith.andi %reduce_min3A_161, %and3A_171 : vector<512xi32>
    %shift_left3A_173 = arith.constant 7 : i32
    %shift_left3A_174 = vector.broadcast %shift_left3A_173 : i32 to vector<512xi32>
    %shift_left3A_175 = arith.shli %and3A_172, %shift_left3A_174 : vector<512xi32>
    %and3A_176 = arith.constant 127 : i32
    %and3A_177 = vector.broadcast %and3A_176 : i32 to vector<512xi32>
    %and3A_178 = arith.andi %reduce_min3A_169, %and3A_177 : vector<512xi32>
    %add3A_179 = arith.addi %shift_left3A_175, %and3A_178 : vector<512xi32>
    %add3A_180 = vector.broadcast %mul3A_28 : i32 to vector<512xi32>
    %add3A_181 = arith.addi %add3A_179, %add3A_180 : vector<512xi32>
    %broadcast_in_dim3A_182 = vector.shape_cast %reduce_min3A_169 : vector<512xi32> to vector<512x1xi32>
    %eq3A_183 = vector.broadcast %broadcast_in_dim3A_182 : vector<512x1xi32> to vector<512x512xi32>
    %eq3A_184 = arith.cmpi eq, %iota3A_103, %eq3A_183 : vector<512x512xi32>
    %and3A_185 = arith.andi %eq3A_164, %eq3A_184 : vector<512x512xi1>
    %jit3A_186 = arith.constant 2147483647 : i32
    %broadcast_in_dim3A_187 = vector.broadcast %jit3A_186 : i32 to vector<512x512xi32>
    %select_n3A_188 = arith.select %and3A_185, %broadcast_in_dim3A_187, %select_n3A_159 : vector<512x512xi1>, vector<512x512xi32>
    %reduce_min3A_189 = arith.constant dense<2147483647> : vector<512xi32>
    %reduce_min3A_190 = vector.multi_reduction <minsi>, %select_n3A_188, %reduce_min3A_189 [1] : vector<512x512xi32> to vector<512xi32>
    %broadcast_in_dim3A_191 = vector.shape_cast %reduce_min3A_190 : vector<512xi32> to vector<512x1xi32>
    %eq3A_192 = vector.broadcast %broadcast_in_dim3A_191 : vector<512x1xi32> to vector<512x512xi32>
    %eq3A_193 = arith.cmpi eq, %select_n3A_188, %eq3A_192 : vector<512x512xi32>
    %jit3A_194 = arith.constant 2147483647 : i32
    %broadcast_in_dim3A_195 = vector.broadcast %jit3A_194 : i32 to vector<512x512xi32>
    %select_n3A_196 = arith.select %eq3A_193, %iota3A_103, %broadcast_in_dim3A_195 : vector<512x512xi1>, vector<512x512xi32>
    %reduce_min3A_197 = arith.constant dense<2147483647> : vector<512xi32>
    %reduce_min3A_198 = vector.multi_reduction <minsi>, %select_n3A_196, %reduce_min3A_197 [1] : vector<512x512xi32> to vector<512xi32>
    %and3A_199 = arith.constant 31 : i32
    %and3A_200 = vector.broadcast %and3A_199 : i32 to vector<512xi32>
    %and3A_201 = arith.andi %reduce_min3A_190, %and3A_200 : vector<512xi32>
    %shift_left3A_202 = arith.constant 7 : i32
    %shift_left3A_203 = vector.broadcast %shift_left3A_202 : i32 to vector<512xi32>
    %shift_left3A_204 = arith.shli %and3A_201, %shift_left3A_203 : vector<512xi32>
    %and3A_205 = arith.constant 127 : i32
    %and3A_206 = vector.broadcast %and3A_205 : i32 to vector<512xi32>
    %and3A_207 = arith.andi %reduce_min3A_198, %and3A_206 : vector<512xi32>
    %add3A_208 = arith.addi %shift_left3A_204, %and3A_207 : vector<512xi32>
    %add3A_209 = vector.broadcast %mul3A_28 : i32 to vector<512xi32>
    %add3A_210 = arith.addi %add3A_208, %add3A_209 : vector<512xi32>
    %broadcast_in_dim3A_211 = vector.shape_cast %reduce_min3A_198 : vector<512xi32> to vector<512x1xi32>
    %eq3A_212 = vector.broadcast %broadcast_in_dim3A_211 : vector<512x1xi32> to vector<512x512xi32>
    %eq3A_213 = arith.cmpi eq, %iota3A_103, %eq3A_212 : vector<512x512xi32>
    %and3A_214 = arith.andi %eq3A_193, %eq3A_213 : vector<512x512xi1>
    %jit3A_215 = arith.constant 2147483647 : i32
    %broadcast_in_dim3A_216 = vector.broadcast %jit3A_215 : i32 to vector<512x512xi32>
    %select_n3A_217 = arith.select %and3A_214, %broadcast_in_dim3A_216, %select_n3A_188 : vector<512x512xi1>, vector<512x512xi32>
    %reduce_min3A_218 = arith.constant dense<2147483647> : vector<512xi32>
    %reduce_min3A_219 = vector.multi_reduction <minsi>, %select_n3A_217, %reduce_min3A_218 [1] : vector<512x512xi32> to vector<512xi32>
    %broadcast_in_dim3A_220 = vector.shape_cast %reduce_min3A_219 : vector<512xi32> to vector<512x1xi32>
    %eq3A_221 = vector.broadcast %broadcast_in_dim3A_220 : vector<512x1xi32> to vector<512x512xi32>
    %eq3A_222 = arith.cmpi eq, %select_n3A_217, %eq3A_221 : vector<512x512xi32>
    %jit3A_223 = arith.constant 2147483647 : i32
    %broadcast_in_dim3A_224 = vector.broadcast %jit3A_223 : i32 to vector<512x512xi32>
    %select_n3A_225 = arith.select %eq3A_222, %iota3A_103, %broadcast_in_dim3A_224 : vector<512x512xi1>, vector<512x512xi32>
    %reduce_min3A_226 = arith.constant dense<2147483647> : vector<512xi32>
    %reduce_min3A_227 = vector.multi_reduction <minsi>, %select_n3A_225, %reduce_min3A_226 [1] : vector<512x512xi32> to vector<512xi32>
    %and3A_228 = arith.constant 31 : i32
    %and3A_229 = vector.broadcast %and3A_228 : i32 to vector<512xi32>
    %and3A_230 = arith.andi %reduce_min3A_219, %and3A_229 : vector<512xi32>
    %shift_left3A_231 = arith.constant 7 : i32
    %shift_left3A_232 = vector.broadcast %shift_left3A_231 : i32 to vector<512xi32>
    %shift_left3A_233 = arith.shli %and3A_230, %shift_left3A_232 : vector<512xi32>
    %and3A_234 = arith.constant 127 : i32
    %and3A_235 = vector.broadcast %and3A_234 : i32 to vector<512xi32>
    %and3A_236 = arith.andi %reduce_min3A_227, %and3A_235 : vector<512xi32>
    %add3A_237 = arith.addi %shift_left3A_233, %and3A_236 : vector<512xi32>
    %add3A_238 = vector.broadcast %mul3A_28 : i32 to vector<512xi32>
    %add3A_239 = arith.addi %add3A_237, %add3A_238 : vector<512xi32>
    %broadcast_in_dim3A_240 = vector.shape_cast %reduce_min3A_227 : vector<512xi32> to vector<512x1xi32>
    %eq3A_241 = vector.broadcast %broadcast_in_dim3A_240 : vector<512x1xi32> to vector<512x512xi32>
    %eq3A_242 = arith.cmpi eq, %iota3A_103, %eq3A_241 : vector<512x512xi32>
    %and3A_243 = arith.andi %eq3A_222, %eq3A_242 : vector<512x512xi1>
    %jit3A_244 = arith.constant 2147483647 : i32
    %broadcast_in_dim3A_245 = vector.broadcast %jit3A_244 : i32 to vector<512x512xi32>
    %select_n3A_246 = arith.select %and3A_243, %broadcast_in_dim3A_245, %select_n3A_217 : vector<512x512xi1>, vector<512x512xi32>
    %reduce_min3A_247 = arith.constant dense<2147483647> : vector<512xi32>
    %reduce_min3A_248 = vector.multi_reduction <minsi>, %select_n3A_246, %reduce_min3A_247 [1] : vector<512x512xi32> to vector<512xi32>
    %broadcast_in_dim3A_249 = vector.shape_cast %reduce_min3A_248 : vector<512xi32> to vector<512x1xi32>
    %eq3A_250 = vector.broadcast %broadcast_in_dim3A_249 : vector<512x1xi32> to vector<512x512xi32>
    %eq3A_251 = arith.cmpi eq, %select_n3A_246, %eq3A_250 : vector<512x512xi32>
    %jit3A_252 = arith.constant 2147483647 : i32
    %broadcast_in_dim3A_253 = vector.broadcast %jit3A_252 : i32 to vector<512x512xi32>
    %select_n3A_254 = arith.select %eq3A_251, %iota3A_103, %broadcast_in_dim3A_253 : vector<512x512xi1>, vector<512x512xi32>
    %reduce_min3A_255 = arith.constant dense<2147483647> : vector<512xi32>
    %reduce_min3A_256 = vector.multi_reduction <minsi>, %select_n3A_254, %reduce_min3A_255 [1] : vector<512x512xi32> to vector<512xi32>
    %and3A_257 = arith.constant 31 : i32
    %and3A_258 = vector.broadcast %and3A_257 : i32 to vector<512xi32>
    %and3A_259 = arith.andi %reduce_min3A_248, %and3A_258 : vector<512xi32>
    %shift_left3A_260 = arith.constant 7 : i32
    %shift_left3A_261 = vector.broadcast %shift_left3A_260 : i32 to vector<512xi32>
    %shift_left3A_262 = arith.shli %and3A_259, %shift_left3A_261 : vector<512xi32>
    %and3A_263 = arith.constant 127 : i32
    %and3A_264 = vector.broadcast %and3A_263 : i32 to vector<512xi32>
    %and3A_265 = arith.andi %reduce_min3A_256, %and3A_264 : vector<512xi32>
    %add3A_266 = arith.addi %shift_left3A_262, %and3A_265 : vector<512xi32>
    %add3A_267 = vector.broadcast %mul3A_28 : i32 to vector<512xi32>
    %add3A_268 = arith.addi %add3A_266, %add3A_267 : vector<512xi32>
    %broadcast_in_dim3A_269 = vector.shape_cast %reduce_min3A_256 : vector<512xi32> to vector<512x1xi32>
    %eq3A_270 = vector.broadcast %broadcast_in_dim3A_269 : vector<512x1xi32> to vector<512x512xi32>
    %eq3A_271 = arith.cmpi eq, %iota3A_103, %eq3A_270 : vector<512x512xi32>
    %and3A_272 = arith.andi %eq3A_251, %eq3A_271 : vector<512x512xi1>
    %jit3A_273 = arith.constant 2147483647 : i32
    %broadcast_in_dim3A_274 = vector.broadcast %jit3A_273 : i32 to vector<512x512xi32>
    %select_n3A_275 = arith.select %and3A_272, %broadcast_in_dim3A_274, %select_n3A_246 : vector<512x512xi1>, vector<512x512xi32>
    %reduce_min3A_276 = arith.constant dense<2147483647> : vector<512xi32>
    %reduce_min3A_277 = vector.multi_reduction <minsi>, %select_n3A_275, %reduce_min3A_276 [1] : vector<512x512xi32> to vector<512xi32>
    %broadcast_in_dim3A_278 = vector.shape_cast %reduce_min3A_277 : vector<512xi32> to vector<512x1xi32>
    %eq3A_279 = vector.broadcast %broadcast_in_dim3A_278 : vector<512x1xi32> to vector<512x512xi32>
    %eq3A_280 = arith.cmpi eq, %select_n3A_275, %eq3A_279 : vector<512x512xi32>
    %jit3A_281 = arith.constant 2147483647 : i32
    %broadcast_in_dim3A_282 = vector.broadcast %jit3A_281 : i32 to vector<512x512xi32>
    %select_n3A_283 = arith.select %eq3A_280, %iota3A_103, %broadcast_in_dim3A_282 : vector<512x512xi1>, vector<512x512xi32>
    %reduce_min3A_284 = arith.constant dense<2147483647> : vector<512xi32>
    %reduce_min3A_285 = vector.multi_reduction <minsi>, %select_n3A_283, %reduce_min3A_284 [1] : vector<512x512xi32> to vector<512xi32>
    %and3A_286 = arith.constant 31 : i32
    %and3A_287 = vector.broadcast %and3A_286 : i32 to vector<512xi32>
    %and3A_288 = arith.andi %reduce_min3A_277, %and3A_287 : vector<512xi32>
    %shift_left3A_289 = arith.constant 7 : i32
    %shift_left3A_290 = vector.broadcast %shift_left3A_289 : i32 to vector<512xi32>
    %shift_left3A_291 = arith.shli %and3A_288, %shift_left3A_290 : vector<512xi32>
    %and3A_292 = arith.constant 127 : i32
    %and3A_293 = vector.broadcast %and3A_292 : i32 to vector<512xi32>
    %and3A_294 = arith.andi %reduce_min3A_285, %and3A_293 : vector<512xi32>
    %add3A_295 = arith.addi %shift_left3A_291, %and3A_294 : vector<512xi32>
    %add3A_296 = vector.broadcast %mul3A_28 : i32 to vector<512xi32>
    %add3A_297 = arith.addi %add3A_295, %add3A_296 : vector<512xi32>
    %broadcast_in_dim3A_298 = vector.shape_cast %reduce_min3A_285 : vector<512xi32> to vector<512x1xi32>
    %eq3A_299 = vector.broadcast %broadcast_in_dim3A_298 : vector<512x1xi32> to vector<512x512xi32>
    %eq3A_300 = arith.cmpi eq, %iota3A_103, %eq3A_299 : vector<512x512xi32>
    %and3A_301 = arith.andi %eq3A_280, %eq3A_300 : vector<512x512xi1>
    %jit3A_302 = arith.constant 2147483647 : i32
    %broadcast_in_dim3A_303 = vector.broadcast %jit3A_302 : i32 to vector<512x512xi32>
    %select_n3A_304 = arith.select %and3A_301, %broadcast_in_dim3A_303, %select_n3A_275 : vector<512x512xi1>, vector<512x512xi32>
    %reduce_min3A_305 = arith.constant dense<2147483647> : vector<512xi32>
    %reduce_min3A_306 = vector.multi_reduction <minsi>, %select_n3A_304, %reduce_min3A_305 [1] : vector<512x512xi32> to vector<512xi32>
    %broadcast_in_dim3A_307 = vector.shape_cast %reduce_min3A_306 : vector<512xi32> to vector<512x1xi32>
    %eq3A_308 = vector.broadcast %broadcast_in_dim3A_307 : vector<512x1xi32> to vector<512x512xi32>
    %eq3A_309 = arith.cmpi eq, %select_n3A_304, %eq3A_308 : vector<512x512xi32>
    %jit3A_310 = arith.constant 2147483647 : i32
    %broadcast_in_dim3A_311 = vector.broadcast %jit3A_310 : i32 to vector<512x512xi32>
    %select_n3A_312 = arith.select %eq3A_309, %iota3A_103, %broadcast_in_dim3A_311 : vector<512x512xi1>, vector<512x512xi32>
    %reduce_min3A_313 = arith.constant dense<2147483647> : vector<512xi32>
    %reduce_min3A_314 = vector.multi_reduction <minsi>, %select_n3A_312, %reduce_min3A_313 [1] : vector<512x512xi32> to vector<512xi32>
    %and3A_315 = arith.constant 31 : i32
    %and3A_316 = vector.broadcast %and3A_315 : i32 to vector<512xi32>
    %and3A_317 = arith.andi %reduce_min3A_306, %and3A_316 : vector<512xi32>
    %shift_left3A_318 = arith.constant 7 : i32
    %shift_left3A_319 = vector.broadcast %shift_left3A_318 : i32 to vector<512xi32>
    %shift_left3A_320 = arith.shli %and3A_317, %shift_left3A_319 : vector<512xi32>
    %and3A_321 = arith.constant 127 : i32
    %and3A_322 = vector.broadcast %and3A_321 : i32 to vector<512xi32>
    %and3A_323 = arith.andi %reduce_min3A_314, %and3A_322 : vector<512xi32>
    %add3A_324 = arith.addi %shift_left3A_320, %and3A_323 : vector<512xi32>
    %add3A_325 = vector.broadcast %mul3A_28 : i32 to vector<512xi32>
    %add3A_326 = arith.addi %add3A_324, %add3A_325 : vector<512xi32>
    %broadcast_in_dim3A_327 = vector.shape_cast %reduce_min3A_314 : vector<512xi32> to vector<512x1xi32>
    %eq3A_328 = vector.broadcast %broadcast_in_dim3A_327 : vector<512x1xi32> to vector<512x512xi32>
    %eq3A_329 = arith.cmpi eq, %iota3A_103, %eq3A_328 : vector<512x512xi32>
    %and3A_330 = arith.andi %eq3A_309, %eq3A_329 : vector<512x512xi1>
    %jit3A_331 = arith.constant 2147483647 : i32
    %broadcast_in_dim3A_332 = vector.broadcast %jit3A_331 : i32 to vector<512x512xi32>
    %select_n3A_333 = arith.select %and3A_330, %broadcast_in_dim3A_332, %select_n3A_304 : vector<512x512xi1>, vector<512x512xi32>
    %reduce_min3A_334 = arith.constant dense<2147483647> : vector<512xi32>
    %reduce_min3A_335 = vector.multi_reduction <minsi>, %select_n3A_333, %reduce_min3A_334 [1] : vector<512x512xi32> to vector<512xi32>
    %broadcast_in_dim3A_336 = vector.shape_cast %reduce_min3A_335 : vector<512xi32> to vector<512x1xi32>
    %eq3A_337 = vector.broadcast %broadcast_in_dim3A_336 : vector<512x1xi32> to vector<512x512xi32>
    %eq3A_338 = arith.cmpi eq, %select_n3A_333, %eq3A_337 : vector<512x512xi32>
    %jit3A_339 = arith.constant 2147483647 : i32
    %broadcast_in_dim3A_340 = vector.broadcast %jit3A_339 : i32 to vector<512x512xi32>
    %select_n3A_341 = arith.select %eq3A_338, %iota3A_103, %broadcast_in_dim3A_340 : vector<512x512xi1>, vector<512x512xi32>
    %reduce_min3A_342 = arith.constant dense<2147483647> : vector<512xi32>
    %reduce_min3A_343 = vector.multi_reduction <minsi>, %select_n3A_341, %reduce_min3A_342 [1] : vector<512x512xi32> to vector<512xi32>
    %and3A_344 = arith.constant 31 : i32
    %and3A_345 = vector.broadcast %and3A_344 : i32 to vector<512xi32>
    %and3A_346 = arith.andi %reduce_min3A_335, %and3A_345 : vector<512xi32>
    %shift_left3A_347 = arith.constant 7 : i32
    %shift_left3A_348 = vector.broadcast %shift_left3A_347 : i32 to vector<512xi32>
    %shift_left3A_349 = arith.shli %and3A_346, %shift_left3A_348 : vector<512xi32>
    %and3A_350 = arith.constant 127 : i32
    %and3A_351 = vector.broadcast %and3A_350 : i32 to vector<512xi32>
    %and3A_352 = arith.andi %reduce_min3A_343, %and3A_351 : vector<512xi32>
    %add3A_353 = arith.addi %shift_left3A_349, %and3A_352 : vector<512xi32>
    %add3A_354 = vector.broadcast %mul3A_28 : i32 to vector<512xi32>
    %add3A_355 = arith.addi %add3A_353, %add3A_354 : vector<512xi32>
    %broadcast_in_dim3A_356 = vector.shape_cast %reduce_min3A_343 : vector<512xi32> to vector<512x1xi32>
    %eq3A_357 = vector.broadcast %broadcast_in_dim3A_356 : vector<512x1xi32> to vector<512x512xi32>
    %eq3A_358 = arith.cmpi eq, %iota3A_103, %eq3A_357 : vector<512x512xi32>
    %and3A_359 = arith.andi %eq3A_338, %eq3A_358 : vector<512x512xi1>
    %jit3A_360 = arith.constant 2147483647 : i32
    %broadcast_in_dim3A_361 = vector.broadcast %jit3A_360 : i32 to vector<512x512xi32>
    %select_n3A_362 = arith.select %and3A_359, %broadcast_in_dim3A_361, %select_n3A_333 : vector<512x512xi1>, vector<512x512xi32>
    %reduce_min3A_363 = arith.constant dense<2147483647> : vector<512xi32>
    %reduce_min3A_364 = vector.multi_reduction <minsi>, %select_n3A_362, %reduce_min3A_363 [1] : vector<512x512xi32> to vector<512xi32>
    %broadcast_in_dim3A_365 = vector.shape_cast %reduce_min3A_364 : vector<512xi32> to vector<512x1xi32>
    %eq3A_366 = vector.broadcast %broadcast_in_dim3A_365 : vector<512x1xi32> to vector<512x512xi32>
    %eq3A_367 = arith.cmpi eq, %select_n3A_362, %eq3A_366 : vector<512x512xi32>
    %jit3A_368 = arith.constant 2147483647 : i32
    %broadcast_in_dim3A_369 = vector.broadcast %jit3A_368 : i32 to vector<512x512xi32>
    %select_n3A_370 = arith.select %eq3A_367, %iota3A_103, %broadcast_in_dim3A_369 : vector<512x512xi1>, vector<512x512xi32>
    %reduce_min3A_371 = arith.constant dense<2147483647> : vector<512xi32>
    %reduce_min3A_372 = vector.multi_reduction <minsi>, %select_n3A_370, %reduce_min3A_371 [1] : vector<512x512xi32> to vector<512xi32>
    %and3A_373 = arith.constant 31 : i32
    %and3A_374 = vector.broadcast %and3A_373 : i32 to vector<512xi32>
    %and3A_375 = arith.andi %reduce_min3A_364, %and3A_374 : vector<512xi32>
    %shift_left3A_376 = arith.constant 7 : i32
    %shift_left3A_377 = vector.broadcast %shift_left3A_376 : i32 to vector<512xi32>
    %shift_left3A_378 = arith.shli %and3A_375, %shift_left3A_377 : vector<512xi32>
    %and3A_379 = arith.constant 127 : i32
    %and3A_380 = vector.broadcast %and3A_379 : i32 to vector<512xi32>
    %and3A_381 = arith.andi %reduce_min3A_372, %and3A_380 : vector<512xi32>
    %add3A_382 = arith.addi %shift_left3A_378, %and3A_381 : vector<512xi32>
    %add3A_383 = vector.broadcast %mul3A_28 : i32 to vector<512xi32>
    %add3A_384 = arith.addi %add3A_382, %add3A_383 : vector<512xi32>
    %broadcast_in_dim3A_385 = vector.shape_cast %reduce_min3A_372 : vector<512xi32> to vector<512x1xi32>
    %eq3A_386 = vector.broadcast %broadcast_in_dim3A_385 : vector<512x1xi32> to vector<512x512xi32>
    %eq3A_387 = arith.cmpi eq, %iota3A_103, %eq3A_386 : vector<512x512xi32>
    %and3A_388 = arith.andi %eq3A_367, %eq3A_387 : vector<512x512xi1>
    %jit3A_389 = arith.constant 2147483647 : i32
    %broadcast_in_dim3A_390 = vector.broadcast %jit3A_389 : i32 to vector<512x512xi32>
    %select_n3A_391 = arith.select %and3A_388, %broadcast_in_dim3A_390, %select_n3A_362 : vector<512x512xi1>, vector<512x512xi32>
    %reduce_min3A_392 = arith.constant dense<2147483647> : vector<512xi32>
    %reduce_min3A_393 = vector.multi_reduction <minsi>, %select_n3A_391, %reduce_min3A_392 [1] : vector<512x512xi32> to vector<512xi32>
    %broadcast_in_dim3A_394 = vector.shape_cast %reduce_min3A_393 : vector<512xi32> to vector<512x1xi32>
    %eq3A_395 = vector.broadcast %broadcast_in_dim3A_394 : vector<512x1xi32> to vector<512x512xi32>
    %eq3A_396 = arith.cmpi eq, %select_n3A_391, %eq3A_395 : vector<512x512xi32>
    %jit3A_397 = arith.constant 2147483647 : i32
    %broadcast_in_dim3A_398 = vector.broadcast %jit3A_397 : i32 to vector<512x512xi32>
    %select_n3A_399 = arith.select %eq3A_396, %iota3A_103, %broadcast_in_dim3A_398 : vector<512x512xi1>, vector<512x512xi32>
    %reduce_min3A_400 = arith.constant dense<2147483647> : vector<512xi32>
    %reduce_min3A_401 = vector.multi_reduction <minsi>, %select_n3A_399, %reduce_min3A_400 [1] : vector<512x512xi32> to vector<512xi32>
    %and3A_402 = arith.constant 31 : i32
    %and3A_403 = vector.broadcast %and3A_402 : i32 to vector<512xi32>
    %and3A_404 = arith.andi %reduce_min3A_393, %and3A_403 : vector<512xi32>
    %shift_left3A_405 = arith.constant 7 : i32
    %shift_left3A_406 = vector.broadcast %shift_left3A_405 : i32 to vector<512xi32>
    %shift_left3A_407 = arith.shli %and3A_404, %shift_left3A_406 : vector<512xi32>
    %and3A_408 = arith.constant 127 : i32
    %and3A_409 = vector.broadcast %and3A_408 : i32 to vector<512xi32>
    %and3A_410 = arith.andi %reduce_min3A_401, %and3A_409 : vector<512xi32>
    %add3A_411 = arith.addi %shift_left3A_407, %and3A_410 : vector<512xi32>
    %add3A_412 = vector.broadcast %mul3A_28 : i32 to vector<512xi32>
    %add3A_413 = arith.addi %add3A_411, %add3A_412 : vector<512xi32>
    %broadcast_in_dim3A_414 = vector.shape_cast %reduce_min3A_401 : vector<512xi32> to vector<512x1xi32>
    %eq3A_415 = vector.broadcast %broadcast_in_dim3A_414 : vector<512x1xi32> to vector<512x512xi32>
    %eq3A_416 = arith.cmpi eq, %iota3A_103, %eq3A_415 : vector<512x512xi32>
    %and3A_417 = arith.andi %eq3A_396, %eq3A_416 : vector<512x512xi1>
    %jit3A_418 = arith.constant 2147483647 : i32
    %broadcast_in_dim3A_419 = vector.broadcast %jit3A_418 : i32 to vector<512x512xi32>
    %select_n3A_420 = arith.select %and3A_417, %broadcast_in_dim3A_419, %select_n3A_391 : vector<512x512xi1>, vector<512x512xi32>
    %reduce_min3A_421 = arith.constant dense<2147483647> : vector<512xi32>
    %reduce_min3A_422 = vector.multi_reduction <minsi>, %select_n3A_420, %reduce_min3A_421 [1] : vector<512x512xi32> to vector<512xi32>
    %broadcast_in_dim3A_423 = vector.shape_cast %reduce_min3A_422 : vector<512xi32> to vector<512x1xi32>
    %eq3A_424 = vector.broadcast %broadcast_in_dim3A_423 : vector<512x1xi32> to vector<512x512xi32>
    %eq3A_425 = arith.cmpi eq, %select_n3A_420, %eq3A_424 : vector<512x512xi32>
    %jit3A_426 = arith.constant 2147483647 : i32
    %broadcast_in_dim3A_427 = vector.broadcast %jit3A_426 : i32 to vector<512x512xi32>
    %select_n3A_428 = arith.select %eq3A_425, %iota3A_103, %broadcast_in_dim3A_427 : vector<512x512xi1>, vector<512x512xi32>
    %reduce_min3A_429 = arith.constant dense<2147483647> : vector<512xi32>
    %reduce_min3A_430 = vector.multi_reduction <minsi>, %select_n3A_428, %reduce_min3A_429 [1] : vector<512x512xi32> to vector<512xi32>
    %and3A_431 = arith.constant 31 : i32
    %and3A_432 = vector.broadcast %and3A_431 : i32 to vector<512xi32>
    %and3A_433 = arith.andi %reduce_min3A_422, %and3A_432 : vector<512xi32>
    %shift_left3A_434 = arith.constant 7 : i32
    %shift_left3A_435 = vector.broadcast %shift_left3A_434 : i32 to vector<512xi32>
    %shift_left3A_436 = arith.shli %and3A_433, %shift_left3A_435 : vector<512xi32>
    %and3A_437 = arith.constant 127 : i32
    %and3A_438 = vector.broadcast %and3A_437 : i32 to vector<512xi32>
    %and3A_439 = arith.andi %reduce_min3A_430, %and3A_438 : vector<512xi32>
    %add3A_440 = arith.addi %shift_left3A_436, %and3A_439 : vector<512xi32>
    %add3A_441 = vector.broadcast %mul3A_28 : i32 to vector<512xi32>
    %add3A_442 = arith.addi %add3A_440, %add3A_441 : vector<512xi32>
    %broadcast_in_dim3A_443 = vector.shape_cast %reduce_min3A_430 : vector<512xi32> to vector<512x1xi32>
    %eq3A_444 = vector.broadcast %broadcast_in_dim3A_443 : vector<512x1xi32> to vector<512x512xi32>
    %eq3A_445 = arith.cmpi eq, %iota3A_103, %eq3A_444 : vector<512x512xi32>
    %and3A_446 = arith.andi %eq3A_425, %eq3A_445 : vector<512x512xi1>
    %jit3A_447 = arith.constant 2147483647 : i32
    %broadcast_in_dim3A_448 = vector.broadcast %jit3A_447 : i32 to vector<512x512xi32>
    %select_n3A_449 = arith.select %and3A_446, %broadcast_in_dim3A_448, %select_n3A_420 : vector<512x512xi1>, vector<512x512xi32>
    %reduce_min3A_450 = arith.constant dense<2147483647> : vector<512xi32>
    %reduce_min3A_451 = vector.multi_reduction <minsi>, %select_n3A_449, %reduce_min3A_450 [1] : vector<512x512xi32> to vector<512xi32>
    %broadcast_in_dim3A_452 = vector.shape_cast %reduce_min3A_451 : vector<512xi32> to vector<512x1xi32>
    %eq3A_453 = vector.broadcast %broadcast_in_dim3A_452 : vector<512x1xi32> to vector<512x512xi32>
    %eq3A_454 = arith.cmpi eq, %select_n3A_449, %eq3A_453 : vector<512x512xi32>
    %jit3A_455 = arith.constant 2147483647 : i32
    %broadcast_in_dim3A_456 = vector.broadcast %jit3A_455 : i32 to vector<512x512xi32>
    %select_n3A_457 = arith.select %eq3A_454, %iota3A_103, %broadcast_in_dim3A_456 : vector<512x512xi1>, vector<512x512xi32>
    %reduce_min3A_458 = arith.constant dense<2147483647> : vector<512xi32>
    %reduce_min3A_459 = vector.multi_reduction <minsi>, %select_n3A_457, %reduce_min3A_458 [1] : vector<512x512xi32> to vector<512xi32>
    %and3A_460 = arith.constant 31 : i32
    %and3A_461 = vector.broadcast %and3A_460 : i32 to vector<512xi32>
    %and3A_462 = arith.andi %reduce_min3A_451, %and3A_461 : vector<512xi32>
    %shift_left3A_463 = arith.constant 7 : i32
    %shift_left3A_464 = vector.broadcast %shift_left3A_463 : i32 to vector<512xi32>
    %shift_left3A_465 = arith.shli %and3A_462, %shift_left3A_464 : vector<512xi32>
    %and3A_466 = arith.constant 127 : i32
    %and3A_467 = vector.broadcast %and3A_466 : i32 to vector<512xi32>
    %and3A_468 = arith.andi %reduce_min3A_459, %and3A_467 : vector<512xi32>
    %add3A_469 = arith.addi %shift_left3A_465, %and3A_468 : vector<512xi32>
    %add3A_470 = vector.broadcast %mul3A_28 : i32 to vector<512xi32>
    %add3A_471 = arith.addi %add3A_469, %add3A_470 : vector<512xi32>
    %broadcast_in_dim3A_472 = vector.shape_cast %reduce_min3A_459 : vector<512xi32> to vector<512x1xi32>
    %eq3A_473 = vector.broadcast %broadcast_in_dim3A_472 : vector<512x1xi32> to vector<512x512xi32>
    %eq3A_474 = arith.cmpi eq, %iota3A_103, %eq3A_473 : vector<512x512xi32>
    %and3A_475 = arith.andi %eq3A_454, %eq3A_474 : vector<512x512xi1>
    %jit3A_476 = arith.constant 2147483647 : i32
    %broadcast_in_dim3A_477 = vector.broadcast %jit3A_476 : i32 to vector<512x512xi32>
    %select_n3A_478 = arith.select %and3A_475, %broadcast_in_dim3A_477, %select_n3A_449 : vector<512x512xi1>, vector<512x512xi32>
    %reduce_min3A_479 = arith.constant dense<2147483647> : vector<512xi32>
    %reduce_min3A_480 = vector.multi_reduction <minsi>, %select_n3A_478, %reduce_min3A_479 [1] : vector<512x512xi32> to vector<512xi32>
    %broadcast_in_dim3A_481 = vector.shape_cast %reduce_min3A_480 : vector<512xi32> to vector<512x1xi32>
    %eq3A_482 = vector.broadcast %broadcast_in_dim3A_481 : vector<512x1xi32> to vector<512x512xi32>
    %eq3A_483 = arith.cmpi eq, %select_n3A_478, %eq3A_482 : vector<512x512xi32>
    %jit3A_484 = arith.constant 2147483647 : i32
    %broadcast_in_dim3A_485 = vector.broadcast %jit3A_484 : i32 to vector<512x512xi32>
    %select_n3A_486 = arith.select %eq3A_483, %iota3A_103, %broadcast_in_dim3A_485 : vector<512x512xi1>, vector<512x512xi32>
    %reduce_min3A_487 = arith.constant dense<2147483647> : vector<512xi32>
    %reduce_min3A_488 = vector.multi_reduction <minsi>, %select_n3A_486, %reduce_min3A_487 [1] : vector<512x512xi32> to vector<512xi32>
    %and3A_489 = arith.constant 31 : i32
    %and3A_490 = vector.broadcast %and3A_489 : i32 to vector<512xi32>
    %and3A_491 = arith.andi %reduce_min3A_480, %and3A_490 : vector<512xi32>
    %shift_left3A_492 = arith.constant 7 : i32
    %shift_left3A_493 = vector.broadcast %shift_left3A_492 : i32 to vector<512xi32>
    %shift_left3A_494 = arith.shli %and3A_491, %shift_left3A_493 : vector<512xi32>
    %and3A_495 = arith.constant 127 : i32
    %and3A_496 = vector.broadcast %and3A_495 : i32 to vector<512xi32>
    %and3A_497 = arith.andi %reduce_min3A_488, %and3A_496 : vector<512xi32>
    %add3A_498 = arith.addi %shift_left3A_494, %and3A_497 : vector<512xi32>
    %add3A_499 = vector.broadcast %mul3A_28 : i32 to vector<512xi32>
    %add3A_500 = arith.addi %add3A_498, %add3A_499 : vector<512xi32>
    %broadcast_in_dim3A_501 = vector.shape_cast %reduce_min3A_488 : vector<512xi32> to vector<512x1xi32>
    %eq3A_502 = vector.broadcast %broadcast_in_dim3A_501 : vector<512x1xi32> to vector<512x512xi32>
    %eq3A_503 = arith.cmpi eq, %iota3A_103, %eq3A_502 : vector<512x512xi32>
    %and3A_504 = arith.andi %eq3A_483, %eq3A_503 : vector<512x512xi1>
    %jit3A_505 = arith.constant 2147483647 : i32
    %broadcast_in_dim3A_506 = vector.broadcast %jit3A_505 : i32 to vector<512x512xi32>
    %select_n3A_507 = arith.select %and3A_504, %broadcast_in_dim3A_506, %select_n3A_478 : vector<512x512xi1>, vector<512x512xi32>
    %reduce_min3A_508 = arith.constant dense<2147483647> : vector<512xi32>
    %reduce_min3A_509 = vector.multi_reduction <minsi>, %select_n3A_507, %reduce_min3A_508 [1] : vector<512x512xi32> to vector<512xi32>
    %broadcast_in_dim3A_510 = vector.shape_cast %reduce_min3A_509 : vector<512xi32> to vector<512x1xi32>
    %eq3A_511 = vector.broadcast %broadcast_in_dim3A_510 : vector<512x1xi32> to vector<512x512xi32>
    %eq3A_512 = arith.cmpi eq, %select_n3A_507, %eq3A_511 : vector<512x512xi32>
    %jit3A_513 = arith.constant 2147483647 : i32
    %broadcast_in_dim3A_514 = vector.broadcast %jit3A_513 : i32 to vector<512x512xi32>
    %select_n3A_515 = arith.select %eq3A_512, %iota3A_103, %broadcast_in_dim3A_514 : vector<512x512xi1>, vector<512x512xi32>
    %reduce_min3A_516 = arith.constant dense<2147483647> : vector<512xi32>
    %reduce_min3A_517 = vector.multi_reduction <minsi>, %select_n3A_515, %reduce_min3A_516 [1] : vector<512x512xi32> to vector<512xi32>
    %and3A_518 = arith.constant 31 : i32
    %and3A_519 = vector.broadcast %and3A_518 : i32 to vector<512xi32>
    %and3A_520 = arith.andi %reduce_min3A_509, %and3A_519 : vector<512xi32>
    %shift_left3A_521 = arith.constant 7 : i32
    %shift_left3A_522 = vector.broadcast %shift_left3A_521 : i32 to vector<512xi32>
    %shift_left3A_523 = arith.shli %and3A_520, %shift_left3A_522 : vector<512xi32>
    %and3A_524 = arith.constant 127 : i32
    %and3A_525 = vector.broadcast %and3A_524 : i32 to vector<512xi32>
    %and3A_526 = arith.andi %reduce_min3A_517, %and3A_525 : vector<512xi32>
    %add3A_527 = arith.addi %shift_left3A_523, %and3A_526 : vector<512xi32>
    %add3A_528 = vector.broadcast %mul3A_28 : i32 to vector<512xi32>
    %add3A_529 = arith.addi %add3A_527, %add3A_528 : vector<512xi32>
    %broadcast_in_dim3A_530 = vector.shape_cast %reduce_min3A_517 : vector<512xi32> to vector<512x1xi32>
    %eq3A_531 = vector.broadcast %broadcast_in_dim3A_530 : vector<512x1xi32> to vector<512x512xi32>
    %eq3A_532 = arith.cmpi eq, %iota3A_103, %eq3A_531 : vector<512x512xi32>
    %and3A_533 = arith.andi %eq3A_512, %eq3A_532 : vector<512x512xi1>
    %jit3A_534 = arith.constant 2147483647 : i32
    %broadcast_in_dim3A_535 = vector.broadcast %jit3A_534 : i32 to vector<512x512xi32>
    %select_n3A_536 = arith.select %and3A_533, %broadcast_in_dim3A_535, %select_n3A_507 : vector<512x512xi1>, vector<512x512xi32>
    %reduce_min3A_537 = arith.constant dense<2147483647> : vector<512xi32>
    %reduce_min3A_538 = vector.multi_reduction <minsi>, %select_n3A_536, %reduce_min3A_537 [1] : vector<512x512xi32> to vector<512xi32>
    %broadcast_in_dim3A_539 = vector.shape_cast %reduce_min3A_538 : vector<512xi32> to vector<512x1xi32>
    %eq3A_540 = vector.broadcast %broadcast_in_dim3A_539 : vector<512x1xi32> to vector<512x512xi32>
    %eq3A_541 = arith.cmpi eq, %select_n3A_536, %eq3A_540 : vector<512x512xi32>
    %jit3A_542 = arith.constant 2147483647 : i32
    %broadcast_in_dim3A_543 = vector.broadcast %jit3A_542 : i32 to vector<512x512xi32>
    %select_n3A_544 = arith.select %eq3A_541, %iota3A_103, %broadcast_in_dim3A_543 : vector<512x512xi1>, vector<512x512xi32>
    %reduce_min3A_545 = arith.constant dense<2147483647> : vector<512xi32>
    %reduce_min3A_546 = vector.multi_reduction <minsi>, %select_n3A_544, %reduce_min3A_545 [1] : vector<512x512xi32> to vector<512xi32>
    %and3A_547 = arith.constant 31 : i32
    %and3A_548 = vector.broadcast %and3A_547 : i32 to vector<512xi32>
    %and3A_549 = arith.andi %reduce_min3A_538, %and3A_548 : vector<512xi32>
    %shift_left3A_550 = arith.constant 7 : i32
    %shift_left3A_551 = vector.broadcast %shift_left3A_550 : i32 to vector<512xi32>
    %shift_left3A_552 = arith.shli %and3A_549, %shift_left3A_551 : vector<512xi32>
    %and3A_553 = arith.constant 127 : i32
    %and3A_554 = vector.broadcast %and3A_553 : i32 to vector<512xi32>
    %and3A_555 = arith.andi %reduce_min3A_546, %and3A_554 : vector<512xi32>
    %add3A_556 = arith.addi %shift_left3A_552, %and3A_555 : vector<512xi32>
    %add3A_557 = vector.broadcast %mul3A_28 : i32 to vector<512xi32>
    %add3A_558 = arith.addi %add3A_556, %add3A_557 : vector<512xi32>
    %stack3A = vector.shape_cast %add3A_123 : vector<512xi32> to vector<512x1xi32>
    %stack3A_559 = vector.shape_cast %add3A_152 : vector<512xi32> to vector<512x1xi32>
    %stack3A_560 = vector.shape_cast %add3A_181 : vector<512xi32> to vector<512x1xi32>
    %stack3A_561 = vector.shape_cast %add3A_210 : vector<512xi32> to vector<512x1xi32>
    %stack3A_562 = vector.shape_cast %add3A_239 : vector<512xi32> to vector<512x1xi32>
    %stack3A_563 = vector.shape_cast %add3A_268 : vector<512xi32> to vector<512x1xi32>
    %stack3A_564 = vector.shape_cast %add3A_297 : vector<512xi32> to vector<512x1xi32>
    %stack3A_565 = vector.shape_cast %add3A_326 : vector<512xi32> to vector<512x1xi32>
    %stack3A_566 = vector.shape_cast %add3A_355 : vector<512xi32> to vector<512x1xi32>
    %stack3A_567 = vector.shape_cast %add3A_384 : vector<512xi32> to vector<512x1xi32>
    %stack3A_568 = vector.shape_cast %add3A_413 : vector<512xi32> to vector<512x1xi32>
    %stack3A_569 = vector.shape_cast %add3A_442 : vector<512xi32> to vector<512x1xi32>
    %stack3A_570 = vector.shape_cast %add3A_471 : vector<512xi32> to vector<512x1xi32>
    %stack3A_571 = vector.shape_cast %add3A_500 : vector<512xi32> to vector<512x1xi32>
    %stack3A_572 = vector.shape_cast %add3A_529 : vector<512xi32> to vector<512x1xi32>
    %stack3A_573 = vector.shape_cast %add3A_558 : vector<512xi32> to vector<512x1xi32>
    %stack3A_574 = tpu.concatenate %stack3A, %stack3A_559, %stack3A_560, %stack3A_561, %stack3A_562, %stack3A_563, %stack3A_564, %stack3A_565, %stack3A_566, %stack3A_567, %stack3A_568, %stack3A_569, %stack3A_570, %stack3A_571, %stack3A_572, %stack3A_573 in 1 : vector<512x1xi32>, vector<512x1xi32>, vector<512x1xi32>, vector<512x1xi32>, vector<512x1xi32>, vector<512x1xi32>, vector<512x1xi32>, vector<512x1xi32>, vector<512x1xi32>, vector<512x1xi32>, vector<512x1xi32>, vector<512x1xi32>, vector<512x1xi32>, vector<512x1xi32>, vector<512x1xi32>, vector<512x1xi32> -> vector<512x16xi32>
    %swap3A = arith.constant 0 : index
    %swap3A_575 = arith.constant 0 : index
    %swap3A_576 = arith.constant 0 : index
    %swap3A_577 = vector.load %arg4[%swap3A, %swap3A_575, %swap3A_576] : memref<1x512x16xi32, #tpu.memory_space<vmem>>, vector<1x512x16xi32>
    %swap3A_578 = vector.shape_cast %swap3A_577 : vector<1x512x16xi32> to vector<512x16xi32>
    %swap3A_579 = vector.shape_cast %stack3A_574 : vector<512x16xi32> to vector<1x512x16xi32>
    tpu.vector_store %arg4[%swap3A, %swap3A_575, %swap3A_576], %swap3A_579 {strides = array<i32>} : memref<1x512x16xi32, #tpu.memory_space<vmem>>, vector<1x512x16xi32>,
    return
  }
  func.func @transform_0(%arg0: i32, %arg1: i32) -> (i32, i32, i32) {
    %c0_i32 = arith.constant 0 : i32
    %c0_i32_0 = arith.constant 0 : i32
    %c0_i32_1 = arith.constant 0 : i32
    return %arg0, %c0_i32, %c0_i32_0 : i32, i32, i32
  }
  func.func @transform_1(%arg0: i32, %arg1: i32) -> (i32, i32, i32) {
    %c0_i32 = arith.constant 0 : i32
    %c0_i32_0 = arith.constant 0 : i32
    return %arg0, %arg1, %c0_i32 : i32, i32, i32
  }
  func.func @transform_2(%arg0: i32, %arg1: i32) -> (i32, i32, i32) {
    %c0_i32 = arith.constant 0 : i32
    %c0_i32_0 = arith.constant 0 : i32
    return %arg0, %arg1, %c0_i32 : i32, i32, i32
  }
}

module attributes {stable_mosaic.version = 14 : i64} {
  func.func @_qkv_body(%arg0: i32, %arg1: i32, %arg2: memref<1x128x512xf32, #tpu.memory_space<vmem>>, %arg3: memref<3x128x128xf32, #tpu.memory_space<vmem>>, %arg4: memref<3x128xf32, #tpu.memory_space<vmem>>, %arg5: memref<1x512x128xf32, #tpu.memory_space<vmem>>, %arg6: memref<1x512x128xf32, #tpu.memory_space<vmem>>, %arg7: memref<1x512x128xf32, #tpu.memory_space<vmem>>) attributes {dimension_semantics = [#tpu.dimension_semantics<arbitrary>, #tpu.dimension_semantics<arbitrary>], iteration_bounds = array<i64: 4, 8>, scalar_prefetch = 0 : i64, scratch_operands = 0 : i64, tpu.core_type = #tpu.core_type<tc>, window_params = [{transform_indices = @transform_0, window_bounds = array<i64: 1, 128, 512>}, {pipeline_mode = #tpu.pipeline_mode<synchronous>, transform_indices = @transform_1, window_bounds = array<i64: 3, 128, 128>}, {pipeline_mode = #tpu.pipeline_mode<synchronous>, transform_indices = @transform_2, window_bounds = array<i64: 3, 128>}, {transform_indices = @transform_3, window_bounds = array<i64: 1, 512, 128>}, {transform_indices = @transform_4, window_bounds = array<i64: 1, 512, 128>}, {transform_indices = @transform_5, window_bounds = array<i64: 1, 512, 128>}]} {
    %get3A = arith.constant 0 : index
    %get3A_0 = arith.constant 0 : index
    %get3A_1 = arith.constant 0 : index
    %get3A_2 = vector.load %arg2[%get3A, %get3A_0, %get3A_1] : memref<1x128x512xf32, #tpu.memory_space<vmem>>, vector<1x128x512xf32>
    %get3A_3 = vector.shape_cast %get3A_2 : vector<1x128x512xf32> to vector<128x512xf32>
    %get3A_4 = arith.constant 0 : index
    %get3A_5 = arith.constant 0 : index
    %get3A_6 = arith.constant 0 : index
    %get3A_7 = vector.load %arg3[%get3A_4, %get3A_5, %get3A_6] : memref<3x128x128xf32, #tpu.memory_space<vmem>>, vector<1x128x128xf32>
    %get3A_8 = vector.shape_cast %get3A_7 : vector<1x128x128xf32> to vector<128x128xf32>
    %dot_general3A = arith.constant dense<0.000000e+00> : vector<512x128xf32>
    %dot_general3A_9 = tpu.matmul %get3A_3, %get3A_8, %dot_general3A {dimension_numbers = #tpu.dot_dimension_numbers<[0], [1], [1], [0], [0, 1, 1, 0], [], []>, transpose_lhs_hint = false} : vector<128x512xf32>, vector<128x128xf32>, vector<512x128xf32> -> vector<512x128xf32>
    %get3A_10 = arith.constant 0 : index
    %get3A_11 = arith.constant 0 : index
    %get3A_12 = vector.load %arg4[%get3A_10, %get3A_11] : memref<3x128xf32, #tpu.memory_space<vmem>>, vector<1x128xf32>
    %add3A = vector.broadcast %get3A_12 : vector<1x128xf32> to vector<512x128xf32>
    %add3A_13 = arith.addf %dot_general3A_9, %add3A : vector<512x128xf32>
    %swap3A = arith.constant 0 : index
    %swap3A_14 = arith.constant 0 : index
    %swap3A_15 = arith.constant 0 : index
    %swap3A_16 = vector.load %arg5[%swap3A, %swap3A_14, %swap3A_15] : memref<1x512x128xf32, #tpu.memory_space<vmem>>, vector<1x512x128xf32>
    %swap3A_17 = vector.shape_cast %swap3A_16 : vector<1x512x128xf32> to vector<512x128xf32>
    %swap3A_18 = vector.shape_cast %add3A_13 : vector<512x128xf32> to vector<1x512x128xf32>
    tpu.vector_store %arg5[%swap3A, %swap3A_14, %swap3A_15], %swap3A_18 {strides = array<i32>} : memref<1x512x128xf32, #tpu.memory_space<vmem>>, vector<1x512x128xf32>,
    %get3A_19 = arith.constant 1 : index
    %get3A_20 = arith.constant 0 : index
    %get3A_21 = arith.constant 0 : index
    %get3A_22 = vector.load %arg3[%get3A_19, %get3A_20, %get3A_21] : memref<3x128x128xf32, #tpu.memory_space<vmem>>, vector<1x128x128xf32>
    %get3A_23 = vector.shape_cast %get3A_22 : vector<1x128x128xf32> to vector<128x128xf32>
    %dot_general3A_24 = arith.constant dense<0.000000e+00> : vector<512x128xf32>
    %dot_general3A_25 = tpu.matmul %get3A_3, %get3A_23, %dot_general3A_24 {dimension_numbers = #tpu.dot_dimension_numbers<[0], [1], [1], [0], [0, 1, 1, 0], [], []>, transpose_lhs_hint = false} : vector<128x512xf32>, vector<128x128xf32>, vector<512x128xf32> -> vector<512x128xf32>
    %get3A_26 = arith.constant 1 : index
    %get3A_27 = arith.constant 0 : index
    %get3A_28 = vector.load %arg4[%get3A_26, %get3A_27] : memref<3x128xf32, #tpu.memory_space<vmem>>, vector<1x128xf32>
    %add3A_29 = vector.broadcast %get3A_28 : vector<1x128xf32> to vector<512x128xf32>
    %add3A_30 = arith.addf %dot_general3A_25, %add3A_29 : vector<512x128xf32>
    %swap3A_31 = arith.constant 0 : index
    %swap3A_32 = arith.constant 0 : index
    %swap3A_33 = arith.constant 0 : index
    %swap3A_34 = vector.load %arg6[%swap3A_31, %swap3A_32, %swap3A_33] : memref<1x512x128xf32, #tpu.memory_space<vmem>>, vector<1x512x128xf32>
    %swap3A_35 = vector.shape_cast %swap3A_34 : vector<1x512x128xf32> to vector<512x128xf32>
    %swap3A_36 = vector.shape_cast %add3A_30 : vector<512x128xf32> to vector<1x512x128xf32>
    tpu.vector_store %arg6[%swap3A_31, %swap3A_32, %swap3A_33], %swap3A_36 {strides = array<i32>} : memref<1x512x128xf32, #tpu.memory_space<vmem>>, vector<1x512x128xf32>,
    %get3A_37 = arith.constant 2 : index
    %get3A_38 = arith.constant 0 : index
    %get3A_39 = arith.constant 0 : index
    %get3A_40 = vector.load %arg3[%get3A_37, %get3A_38, %get3A_39] : memref<3x128x128xf32, #tpu.memory_space<vmem>>, vector<1x128x128xf32>
    %get3A_41 = vector.shape_cast %get3A_40 : vector<1x128x128xf32> to vector<128x128xf32>
    %dot_general3A_42 = arith.constant dense<0.000000e+00> : vector<512x128xf32>
    %dot_general3A_43 = tpu.matmul %get3A_3, %get3A_41, %dot_general3A_42 {dimension_numbers = #tpu.dot_dimension_numbers<[0], [1], [1], [0], [0, 1, 1, 0], [], []>, transpose_lhs_hint = false} : vector<128x512xf32>, vector<128x128xf32>, vector<512x128xf32> -> vector<512x128xf32>
    %get3A_44 = arith.constant 2 : index
    %get3A_45 = arith.constant 0 : index
    %get3A_46 = vector.load %arg4[%get3A_44, %get3A_45] : memref<3x128xf32, #tpu.memory_space<vmem>>, vector<1x128xf32>
    %add3A_47 = vector.broadcast %get3A_46 : vector<1x128xf32> to vector<512x128xf32>
    %add3A_48 = arith.addf %dot_general3A_43, %add3A_47 : vector<512x128xf32>
    %swap3A_49 = arith.constant 0 : index
    %swap3A_50 = arith.constant 0 : index
    %swap3A_51 = arith.constant 0 : index
    %swap3A_52 = vector.load %arg7[%swap3A_49, %swap3A_50, %swap3A_51] : memref<1x512x128xf32, #tpu.memory_space<vmem>>, vector<1x512x128xf32>
    %swap3A_53 = vector.shape_cast %swap3A_52 : vector<1x512x128xf32> to vector<512x128xf32>
    %swap3A_54 = vector.shape_cast %add3A_48 : vector<512x128xf32> to vector<1x512x128xf32>
    tpu.vector_store %arg7[%swap3A_49, %swap3A_50, %swap3A_51], %swap3A_54 {strides = array<i32>} : memref<1x512x128xf32, #tpu.memory_space<vmem>>, vector<1x512x128xf32>,
    return
  }
  func.func @transform_0(%arg0: i32, %arg1: i32) -> (i32, i32, i32) {
    %c0_i32 = arith.constant 0 : i32
    %c0_i32_0 = arith.constant 0 : i32
    return %arg0, %c0_i32, %arg1 : i32, i32, i32
  }
  func.func @transform_1(%arg0: i32, %arg1: i32) -> (i32, i32, i32) {
    %c0_i32 = arith.constant 0 : i32
    %c0_i32_0 = arith.constant 0 : i32
    %c0_i32_1 = arith.constant 0 : i32
    %c0_i32_2 = arith.constant 0 : i32
    return %c0_i32, %c0_i32_0, %c0_i32_1 : i32, i32, i32
  }
  func.func @transform_2(%arg0: i32, %arg1: i32) -> (i32, i32) {
    %c0_i32 = arith.constant 0 : i32
    %c0_i32_0 = arith.constant 0 : i32
    %c0_i32_1 = arith.constant 0 : i32
    return %c0_i32, %c0_i32_0 : i32, i32
  }
  func.func @transform_3(%arg0: i32, %arg1: i32) -> (i32, i32, i32) {
    %c0_i32 = arith.constant 0 : i32
    %c0_i32_0 = arith.constant 0 : i32
    return %arg0, %arg1, %c0_i32 : i32, i32, i32
  }
  func.func @transform_4(%arg0: i32, %arg1: i32) -> (i32, i32, i32) {
    %c0_i32 = arith.constant 0 : i32
    %c0_i32_0 = arith.constant 0 : i32
    return %arg0, %arg1, %c0_i32 : i32, i32, i32
  }
  func.func @transform_5(%arg0: i32, %arg1: i32) -> (i32, i32, i32) {
    %c0_i32 = arith.constant 0 : i32
    %c0_i32_0 = arith.constant 0 : i32
    return %arg0, %arg1, %c0_i32 : i32, i32, i32
  }
}

module attributes {stable_mosaic.version = 14 : i64} {
  func.func @_stats1_body(%arg0: i32, %arg1: memref<2048x16xf32, #tpu.memory_space<vmem>>, %arg2: memref<128x16xf32, #tpu.memory_space<vmem>>, %arg3: memref<16x16xf32, #tpu.memory_space<vmem>>, %arg4: memref<8x16xf32, #tpu.memory_space<vmem>>) attributes {dimension_semantics = [#tpu.dimension_semantics<arbitrary>], iteration_bounds = array<i64: 128>, scalar_prefetch = 0 : i64, scratch_operands = 0 : i64, tpu.core_type = #tpu.core_type<tc>, window_params = [{transform_indices = @transform_0, window_bounds = array<i64: 2048, 16>}, {transform_indices = @transform_1, window_bounds = array<i64: 128, 16>}, {pipeline_mode = #tpu.pipeline_mode<synchronous>, transform_indices = @transform_2, window_bounds = array<i64: 16, 16>}, {pipeline_mode = #tpu.pipeline_mode<synchronous>, transform_indices = @transform_3, window_bounds = array<i64: 8, 16>}]} {
    %eq3A = arith.constant 0 : i32
    %eq3A_0 = arith.cmpi eq, %arg0, %eq3A : i32
    %convert_element_type3A = arith.extui %eq3A_0 : i1 to i32
    %cond3A = arith.constant 0 : i32
    %cond3A_1 = arith.cmpi ne, %convert_element_type3A, %cond3A : i32
    scf.if %cond3A_1 {
      %broadcast_in_dim3A_31 = arith.constant 0.000000e+00 : f32
      %broadcast_in_dim3A_32 = vector.broadcast %broadcast_in_dim3A_31 : f32 to vector<8x16xf32>
      %swap3A_33 = arith.constant 0 : index
      %swap3A_34 = arith.constant 0 : index
      %swap3A_35 = vector.load %arg4[%swap3A_33, %swap3A_34] : memref<8x16xf32, #tpu.memory_space<vmem>>, vector<8x16xf32>
      tpu.vector_store %arg4[%swap3A_33, %swap3A_34], %broadcast_in_dim3A_32 {strides = array<i32>} : memref<8x16xf32, #tpu.memory_space<vmem>>, vector<8x16xf32>,
    } else {
    }
    %get3A = arith.constant 0 : index
    %get3A_2 = arith.constant 0 : index
    %get3A_3 = vector.load %arg1[%get3A, %get3A_2] : memref<2048x16xf32, #tpu.memory_space<vmem>>, vector<2048x16xf32>
    %get3A_4 = arith.constant 0 : index
    %get3A_5 = arith.constant 0 : index
    %get3A_6 = vector.load %arg2[%get3A_4, %get3A_5] : memref<128x16xf32, #tpu.memory_space<vmem>>, vector<128x16xf32>
    %reshape3A = vector.shape_cast %get3A_3 : vector<2048x16xf32> to vector<128x16x16xf32>
    %broadcast_in_dim3A = vector.shape_cast %get3A_6 : vector<128x16xf32> to vector<128x1x16xf32>
    %sub3A = vector.broadcast %broadcast_in_dim3A : vector<128x1x16xf32> to vector<128x16x16xf32>
    %sub3A_7 = arith.subf %reshape3A, %sub3A : vector<128x16x16xf32>
    %reshape3A_8 = vector.shape_cast %sub3A_7 : vector<128x16x16xf32> to vector<2048x16xf32>
    %get3A_9 = arith.constant 0 : index
    %get3A_10 = arith.constant 0 : index
    %get3A_11 = vector.load %arg3[%get3A_9, %get3A_10] : memref<16x16xf32, #tpu.memory_space<vmem>>, vector<16x16xf32>
    %dot_general3A = arith.constant dense<0.000000e+00> : vector<2048x16xf32>
    %dot_general3A_12 = tpu.matmul %reshape3A_8, %get3A_11, %dot_general3A {dimension_numbers = #tpu.dot_dimension_numbers<[1], [1], [0], [0], [0, 0, 1, 0], [], []>, transpose_lhs_hint = false} : vector<2048x16xf32>, vector<16x16xf32>, vector<2048x16xf32> -> vector<2048x16xf32>
    %reduce_sum3A = arith.constant dense<0.000000e+00> : vector<16xf32>
    %reduce_sum3A_13 = vector.multi_reduction <add>, %dot_general3A_12, %reduce_sum3A [0] : vector<2048x16xf32> to vector<16xf32>
    %mul3A = arith.mulf %dot_general3A_12, %dot_general3A_12 : vector<2048x16xf32>
    %reduce_sum3A_14 = arith.constant dense<0.000000e+00> : vector<16xf32>
    %reduce_sum3A_15 = vector.multi_reduction <add>, %mul3A, %reduce_sum3A_14 [0] : vector<2048x16xf32> to vector<16xf32>
    %broadcast_in_dim3A_16 = arith.constant 0.000000e+00 : f32
    %broadcast_in_dim3A_17 = vector.broadcast %broadcast_in_dim3A_16 : f32 to vector<16xf32>
    %get3A_18 = arith.constant 0 : index
    %get3A_19 = arith.constant 0 : index
    %get3A_20 = vector.load %arg4[%get3A_18, %get3A_19] : memref<8x16xf32, #tpu.memory_space<vmem>>, vector<8x16xf32>
    %stack3A = vector.shape_cast %reduce_sum3A_13 : vector<16xf32> to vector<1x16xf32>
    %stack3A_21 = vector.shape_cast %reduce_sum3A_15 : vector<16xf32> to vector<1x16xf32>
    %stack3A_22 = vector.shape_cast %broadcast_in_dim3A_17 : vector<16xf32> to vector<1x16xf32>
    %stack3A_23 = vector.shape_cast %broadcast_in_dim3A_17 : vector<16xf32> to vector<1x16xf32>
    %stack3A_24 = vector.shape_cast %broadcast_in_dim3A_17 : vector<16xf32> to vector<1x16xf32>
    %stack3A_25 = vector.shape_cast %broadcast_in_dim3A_17 : vector<16xf32> to vector<1x16xf32>
    %stack3A_26 = vector.shape_cast %broadcast_in_dim3A_17 : vector<16xf32> to vector<1x16xf32>
    %stack3A_27 = vector.shape_cast %broadcast_in_dim3A_17 : vector<16xf32> to vector<1x16xf32>
    %stack3A_28 = tpu.concatenate %stack3A, %stack3A_21, %stack3A_22, %stack3A_23, %stack3A_24, %stack3A_25, %stack3A_26, %stack3A_27 in 0 : vector<1x16xf32>, vector<1x16xf32>, vector<1x16xf32>, vector<1x16xf32>, vector<1x16xf32>, vector<1x16xf32>, vector<1x16xf32>, vector<1x16xf32> -> vector<8x16xf32>
    %add3A = arith.addf %get3A_20, %stack3A_28 : vector<8x16xf32>
    %swap3A = arith.constant 0 : index
    %swap3A_29 = arith.constant 0 : index
    %swap3A_30 = vector.load %arg4[%swap3A, %swap3A_29] : memref<8x16xf32, #tpu.memory_space<vmem>>, vector<8x16xf32>
    tpu.vector_store %arg4[%swap3A, %swap3A_29], %add3A {strides = array<i32>} : memref<8x16xf32, #tpu.memory_space<vmem>>, vector<8x16xf32>,
    return
  }
  func.func @transform_0(%arg0: i32) -> (i32, i32) {
    %c0_i32 = arith.constant 0 : i32
    %c0_i32_0 = arith.constant 0 : i32
    return %arg0, %c0_i32 : i32, i32
  }
  func.func @transform_1(%arg0: i32) -> (i32, i32) {
    %c0_i32 = arith.constant 0 : i32
    %c0_i32_0 = arith.constant 0 : i32
    return %arg0, %c0_i32 : i32, i32
  }
  func.func @transform_2(%arg0: i32) -> (i32, i32) {
    %c0_i32 = arith.constant 0 : i32
    %c0_i32_0 = arith.constant 0 : i32
    %c0_i32_1 = arith.constant 0 : i32
    return %c0_i32, %c0_i32_0 : i32, i32
  }
  func.func @transform_3(%arg0: i32) -> (i32, i32) {
    %c0_i32 = arith.constant 0 : i32
    %c0_i32_0 = arith.constant 0 : i32
    %c0_i32_1 = arith.constant 0 : i32
    return %c0_i32, %c0_i32_0 : i32, i32
  }
}

module attributes {stable_mosaic.version = 14 : i64} {
  func.func @_stats2_body(%arg0: i32, %arg1: memref<2048x16xf32, #tpu.memory_space<vmem>>, %arg2: memref<128x16xf32, #tpu.memory_space<vmem>>, %arg3: memref<128x128xf32, #tpu.memory_space<vmem>>, %arg4: memref<2048x128xf32, #tpu.memory_space<vmem>>, %arg5: memref<16x16xf32, #tpu.memory_space<vmem>>, %arg6: memref<2x16xf32, #tpu.memory_space<vmem>>, %arg7: memref<128x16xf32, #tpu.memory_space<vmem>>, %arg8: memref<1x128xf32, #tpu.memory_space<vmem>>, %arg9: memref<8x128xf32, #tpu.memory_space<vmem>>) attributes {dimension_semantics = [#tpu.dimension_semantics<arbitrary>], iteration_bounds = array<i64: 128>, scalar_prefetch = 0 : i64, scratch_operands = 0 : i64, tpu.core_type = #tpu.core_type<tc>, window_params = [{transform_indices = @transform_0, window_bounds = array<i64: 2048, 16>}, {transform_indices = @transform_1, window_bounds = array<i64: 128, 16>}, {transform_indices = @transform_2, window_bounds = array<i64: 128, 128>}, {transform_indices = @transform_3, window_bounds = array<i64: 2048, 128>}, {pipeline_mode = #tpu.pipeline_mode<synchronous>, transform_indices = @transform_4, window_bounds = array<i64: 16, 16>}, {pipeline_mode = #tpu.pipeline_mode<synchronous>, transform_indices = @transform_5, window_bounds = array<i64: 2, 16>}, {pipeline_mode = #tpu.pipeline_mode<synchronous>, transform_indices = @transform_6, window_bounds = array<i64: 128, 16>}, {pipeline_mode = #tpu.pipeline_mode<synchronous>, transform_indices = @transform_7, window_bounds = array<i64: 1, 128>}, {pipeline_mode = #tpu.pipeline_mode<synchronous>, transform_indices = @transform_8, window_bounds = array<i64: 8, 128>}]} {
    %eq3A = arith.constant 0 : i32
    %eq3A_0 = arith.cmpi eq, %arg0, %eq3A : i32
    %convert_element_type3A = arith.extui %eq3A_0 : i1 to i32
    %cond3A = arith.constant 0 : i32
    %cond3A_1 = arith.cmpi ne, %convert_element_type3A, %cond3A : i32
    scf.if %cond3A_1 {
      %broadcast_in_dim3A_63 = arith.constant 0.000000e+00 : f32
      %broadcast_in_dim3A_64 = vector.broadcast %broadcast_in_dim3A_63 : f32 to vector<8x128xf32>
      %swap3A_65 = arith.constant 0 : index
      %swap3A_66 = arith.constant 0 : index
      %swap3A_67 = vector.load %arg9[%swap3A_65, %swap3A_66] : memref<8x128xf32, #tpu.memory_space<vmem>>, vector<8x128xf32>
      tpu.vector_store %arg9[%swap3A_65, %swap3A_66], %broadcast_in_dim3A_64 {strides = array<i32>} : memref<8x128xf32, #tpu.memory_space<vmem>>, vector<8x128xf32>,
    } else {
    }
    %get3A = arith.constant 0 : index
    %get3A_2 = arith.constant 0 : index
    %get3A_3 = vector.load %arg1[%get3A, %get3A_2] : memref<2048x16xf32, #tpu.memory_space<vmem>>, vector<2048x16xf32>
    %get3A_4 = arith.constant 0 : index
    %get3A_5 = arith.constant 0 : index
    %get3A_6 = vector.load %arg2[%get3A_4, %get3A_5] : memref<128x16xf32, #tpu.memory_space<vmem>>, vector<128x16xf32>
    %get3A_7 = arith.constant 0 : index
    %get3A_8 = arith.constant 0 : index
    %get3A_9 = vector.load %arg3[%get3A_7, %get3A_8] : memref<128x128xf32, #tpu.memory_space<vmem>>, vector<128x128xf32>
    %get3A_10 = arith.constant 0 : index
    %get3A_11 = arith.constant 0 : index
    %get3A_12 = vector.load %arg4[%get3A_10, %get3A_11] : memref<2048x128xf32, #tpu.memory_space<vmem>>, vector<2048x128xf32>
    %get3A_13 = arith.constant 0 : index
    %get3A_14 = arith.constant 0 : index
    %get3A_15 = vector.load %arg5[%get3A_13, %get3A_14] : memref<16x16xf32, #tpu.memory_space<vmem>>, vector<16x16xf32>
    %get3A_16 = arith.constant 0 : index
    %get3A_17 = arith.constant 0 : index
    %get3A_18 = vector.load %arg6[%get3A_16, %get3A_17] : memref<2x16xf32, #tpu.memory_space<vmem>>, vector<2x16xf32>
    %get3A_19 = arith.constant 0 : index
    %get3A_20 = arith.constant 0 : index
    %get3A_21 = vector.load %arg7[%get3A_19, %get3A_20] : memref<128x16xf32, #tpu.memory_space<vmem>>, vector<128x16xf32>
    %get3A_22 = arith.constant 0 : index
    %get3A_23 = arith.constant 0 : index
    %get3A_24 = vector.load %arg8[%get3A_22, %get3A_23] : memref<1x128xf32, #tpu.memory_space<vmem>>, vector<1x128xf32>
    %reshape3A = vector.shape_cast %get3A_3 : vector<2048x16xf32> to vector<128x16x16xf32>
    %broadcast_in_dim3A = vector.shape_cast %get3A_6 : vector<128x16xf32> to vector<128x1x16xf32>
    %sub3A = vector.broadcast %broadcast_in_dim3A : vector<128x1x16xf32> to vector<128x16x16xf32>
    %sub3A_25 = arith.subf %reshape3A, %sub3A : vector<128x16x16xf32>
    %reshape3A_26 = vector.shape_cast %sub3A_25 : vector<128x16x16xf32> to vector<2048x16xf32>
    %dot_general3A = arith.constant dense<0.000000e+00> : vector<2048x16xf32>
    %dot_general3A_27 = tpu.matmul %reshape3A_26, %get3A_15, %dot_general3A {dimension_numbers = #tpu.dot_dimension_numbers<[1], [1], [0], [0], [0, 0, 1, 0], [], []>, transpose_lhs_hint = false} : vector<2048x16xf32>, vector<16x16xf32>, vector<2048x16xf32> -> vector<2048x16xf32>
    %slice3A = vector.extract_strided_slice %get3A_18 {offsets = [0, 0], sizes = [1, 16], strides = [1, 1]} : vector<2x16xf32> to vector<1x16xf32>
    %mul3A = vector.broadcast %slice3A : vector<1x16xf32> to vector<2048x16xf32>
    %mul3A_28 = arith.mulf %dot_general3A_27, %mul3A : vector<2048x16xf32>
    %slice3A_29 = vector.extract_strided_slice %get3A_18 {offsets = [1, 0], sizes = [1, 16], strides = [1, 1]} : vector<2x16xf32> to vector<1x16xf32>
    %add3A = vector.broadcast %slice3A_29 : vector<1x16xf32> to vector<2048x16xf32>
    %add3A_30 = arith.addf %mul3A_28, %add3A : vector<2048x16xf32>
    %max3A = arith.constant 0.000000e+00 : f32
    %max3A_31 = vector.broadcast %max3A : f32 to vector<2048x16xf32>
    %max3A_32 = arith.maximumf %add3A_30, %max3A_31 : vector<2048x16xf32>
    %dot_general3A_33 = arith.constant dense<0.000000e+00> : vector<2048x128xf32>
    %dot_general3A_34 = tpu.matmul %max3A_32, %get3A_21, %dot_general3A_33 {dimension_numbers = #tpu.dot_dimension_numbers<[1], [1], [0], [0], [0, 0, 1, 0], [], []>, transpose_lhs_hint = false} : vector<2048x16xf32>, vector<128x16xf32>, vector<2048x128xf32> -> vector<2048x128xf32>
    %add3A_35 = vector.broadcast %get3A_24 : vector<1x128xf32> to vector<2048x128xf32>
    %add3A_36 = arith.addf %dot_general3A_34, %add3A_35 : vector<2048x128xf32>
    %broadcast_in_dim3A_37 = vector.shape_cast %get3A_9 : vector<128x128xf32> to vector<128x1x128xf32>
    %broadcast_in_dim3A_38 = vector.shape_cast %broadcast_in_dim3A_37 : vector<128x1x128xf32> to vector<128x1x128xf32>
    %broadcast_in_dim3A_39 = vector.broadcast %broadcast_in_dim3A_38 : vector<128x1x128xf32> to vector<128x16x128xf32>
    %reshape3A_40 = vector.shape_cast %broadcast_in_dim3A_39 : vector<128x16x128xf32> to vector<2048x128xf32>
    %sub3A_41 = arith.subf %reshape3A_40, %get3A_12 : vector<2048x128xf32>
    %add3A_42 = arith.addf %sub3A_41, %add3A_36 : vector<2048x128xf32>
    %reduce_sum3A = arith.constant dense<0.000000e+00> : vector<128xf32>
    %reduce_sum3A_43 = vector.multi_reduction <add>, %add3A_42, %reduce_sum3A [0] : vector<2048x128xf32> to vector<128xf32>
    %mul3A_44 = arith.mulf %add3A_42, %add3A_42 : vector<2048x128xf32>
    %reduce_sum3A_45 = arith.constant dense<0.000000e+00> : vector<128xf32>
    %reduce_sum3A_46 = vector.multi_reduction <add>, %mul3A_44, %reduce_sum3A_45 [0] : vector<2048x128xf32> to vector<128xf32>
    %broadcast_in_dim3A_47 = arith.constant 0.000000e+00 : f32
    %broadcast_in_dim3A_48 = vector.broadcast %broadcast_in_dim3A_47 : f32 to vector<128xf32>
    %get3A_49 = arith.constant 0 : index
    %get3A_50 = arith.constant 0 : index
    %get3A_51 = vector.load %arg9[%get3A_49, %get3A_50] : memref<8x128xf32, #tpu.memory_space<vmem>>, vector<8x128xf32>
    %stack3A = vector.shape_cast %reduce_sum3A_43 : vector<128xf32> to vector<1x128xf32>
    %stack3A_52 = vector.shape_cast %reduce_sum3A_46 : vector<128xf32> to vector<1x128xf32>
    %stack3A_53 = vector.shape_cast %broadcast_in_dim3A_48 : vector<128xf32> to vector<1x128xf32>
    %stack3A_54 = vector.shape_cast %broadcast_in_dim3A_48 : vector<128xf32> to vector<1x128xf32>
    %stack3A_55 = vector.shape_cast %broadcast_in_dim3A_48 : vector<128xf32> to vector<1x128xf32>
    %stack3A_56 = vector.shape_cast %broadcast_in_dim3A_48 : vector<128xf32> to vector<1x128xf32>
    %stack3A_57 = vector.shape_cast %broadcast_in_dim3A_48 : vector<128xf32> to vector<1x128xf32>
    %stack3A_58 = vector.shape_cast %broadcast_in_dim3A_48 : vector<128xf32> to vector<1x128xf32>
    %stack3A_59 = tpu.concatenate %stack3A, %stack3A_52, %stack3A_53, %stack3A_54, %stack3A_55, %stack3A_56, %stack3A_57, %stack3A_58 in 0 : vector<1x128xf32>, vector<1x128xf32>, vector<1x128xf32>, vector<1x128xf32>, vector<1x128xf32>, vector<1x128xf32>, vector<1x128xf32>, vector<1x128xf32> -> vector<8x128xf32>
    %add3A_60 = arith.addf %get3A_51, %stack3A_59 : vector<8x128xf32>
    %swap3A = arith.constant 0 : index
    %swap3A_61 = arith.constant 0 : index
    %swap3A_62 = vector.load %arg9[%swap3A, %swap3A_61] : memref<8x128xf32, #tpu.memory_space<vmem>>, vector<8x128xf32>
    tpu.vector_store %arg9[%swap3A, %swap3A_61], %add3A_60 {strides = array<i32>} : memref<8x128xf32, #tpu.memory_space<vmem>>, vector<8x128xf32>,
    return
  }
  func.func @transform_0(%arg0: i32) -> (i32, i32) {
    %c0_i32 = arith.constant 0 : i32
    %c0_i32_0 = arith.constant 0 : i32
    return %arg0, %c0_i32 : i32, i32
  }
  func.func @transform_1(%arg0: i32) -> (i32, i32) {
    %c0_i32 = arith.constant 0 : i32
    %c0_i32_0 = arith.constant 0 : i32
    return %arg0, %c0_i32 : i32, i32
  }
  func.func @transform_2(%arg0: i32) -> (i32, i32) {
    %c0_i32 = arith.constant 0 : i32
    %c0_i32_0 = arith.constant 0 : i32
    return %arg0, %c0_i32 : i32, i32
  }
  func.func @transform_3(%arg0: i32) -> (i32, i32) {
    %c0_i32 = arith.constant 0 : i32
    %c0_i32_0 = arith.constant 0 : i32
    return %arg0, %c0_i32 : i32, i32
  }
  func.func @transform_4(%arg0: i32) -> (i32, i32) {
    %c0_i32 = arith.constant 0 : i32
    %c0_i32_0 = arith.constant 0 : i32
    %c0_i32_1 = arith.constant 0 : i32
    return %c0_i32, %c0_i32_0 : i32, i32
  }
  func.func @transform_5(%arg0: i32) -> (i32, i32) {
    %c0_i32 = arith.constant 0 : i32
    %c0_i32_0 = arith.constant 0 : i32
    %c0_i32_1 = arith.constant 0 : i32
    return %c0_i32, %c0_i32_0 : i32, i32
  }
  func.func @transform_6(%arg0: i32) -> (i32, i32) {
    %c0_i32 = arith.constant 0 : i32
    %c0_i32_0 = arith.constant 0 : i32
    %c0_i32_1 = arith.constant 0 : i32
    return %c0_i32, %c0_i32_0 : i32, i32
  }
  func.func @transform_7(%arg0: i32) -> (i32, i32) {
    %c0_i32 = arith.constant 0 : i32
    %c0_i32_0 = arith.constant 0 : i32
    %c0_i32_1 = arith.constant 0 : i32
    return %c0_i32, %c0_i32_0 : i32, i32
  }
  func.func @transform_8(%arg0: i32) -> (i32, i32) {
    %c0_i32 = arith.constant 0 : i32
    %c0_i32_0 = arith.constant 0 : i32
    %c0_i32_1 = arith.constant 0 : i32
    return %c0_i32, %c0_i32_0 : i32, i32
  }
}

module attributes {stable_mosaic.version = 14 : i64} {
  func.func @_stats3_body(%arg0: i32, %arg1: memref<2048x16xf32, #tpu.memory_space<vmem>>, %arg2: memref<128x16xf32, #tpu.memory_space<vmem>>, %arg3: memref<128x128xf32, #tpu.memory_space<vmem>>, %arg4: memref<2048x128xf32, #tpu.memory_space<vmem>>, %arg5: memref<16x16xf32, #tpu.memory_space<vmem>>, %arg6: memref<2x16xf32, #tpu.memory_space<vmem>>, %arg7: memref<128x16xf32, #tpu.memory_space<vmem>>, %arg8: memref<1x128xf32, #tpu.memory_space<vmem>>, %arg9: memref<2x128xf32, #tpu.memory_space<vmem>>, %arg10: memref<128x128xf32, #tpu.memory_space<vmem>>, %arg11: memref<8x128xf32, #tpu.memory_space<vmem>>) attributes {dimension_semantics = [#tpu.dimension_semantics<arbitrary>], iteration_bounds = array<i64: 128>, scalar_prefetch = 0 : i64, scratch_operands = 0 : i64, tpu.core_type = #tpu.core_type<tc>, window_params = [{transform_indices = @transform_0, window_bounds = array<i64: 2048, 16>}, {transform_indices = @transform_1, window_bounds = array<i64: 128, 16>}, {transform_indices = @transform_2, window_bounds = array<i64: 128, 128>}, {transform_indices = @transform_3, window_bounds = array<i64: 2048, 128>}, {pipeline_mode = #tpu.pipeline_mode<synchronous>, transform_indices = @transform_4, window_bounds = array<i64: 16, 16>}, {pipeline_mode = #tpu.pipeline_mode<synchronous>, transform_indices = @transform_5, window_bounds = array<i64: 2, 16>}, {pipeline_mode = #tpu.pipeline_mode<synchronous>, transform_indices = @transform_6, window_bounds = array<i64: 128, 16>}, {pipeline_mode = #tpu.pipeline_mode<synchronous>, transform_indices = @transform_7, window_bounds = array<i64: 1, 128>}, {pipeline_mode = #tpu.pipeline_mode<synchronous>, transform_indices = @transform_8, window_bounds = array<i64: 2, 128>}, {pipeline_mode = #tpu.pipeline_mode<synchronous>, transform_indices = @transform_9, window_bounds = array<i64: 128, 128>}, {pipeline_mode = #tpu.pipeline_mode<synchronous>, transform_indices = @transform_10, window_bounds = array<i64: 8, 128>}]} {
    %eq3A = arith.constant 0 : i32
    %eq3A_0 = arith.cmpi eq, %arg0, %eq3A : i32
    %convert_element_type3A = arith.extui %eq3A_0 : i1 to i32
    %cond3A = arith.constant 0 : i32
    %cond3A_1 = arith.cmpi ne, %convert_element_type3A, %cond3A : i32
    scf.if %cond3A_1 {
      %broadcast_in_dim3A_81 = arith.constant 0.000000e+00 : f32
      %broadcast_in_dim3A_82 = vector.broadcast %broadcast_in_dim3A_81 : f32 to vector<8x128xf32>
      %swap3A_83 = arith.constant 0 : index
      %swap3A_84 = arith.constant 0 : index
      %swap3A_85 = vector.load %arg11[%swap3A_83, %swap3A_84] : memref<8x128xf32, #tpu.memory_space<vmem>>, vector<8x128xf32>
      tpu.vector_store %arg11[%swap3A_83, %swap3A_84], %broadcast_in_dim3A_82 {strides = array<i32>} : memref<8x128xf32, #tpu.memory_space<vmem>>, vector<8x128xf32>,
    } else {
    }
    %get3A = arith.constant 0 : index
    %get3A_2 = arith.constant 0 : index
    %get3A_3 = vector.load %arg1[%get3A, %get3A_2] : memref<2048x16xf32, #tpu.memory_space<vmem>>, vector<2048x16xf32>
    %get3A_4 = arith.constant 0 : index
    %get3A_5 = arith.constant 0 : index
    %get3A_6 = vector.load %arg2[%get3A_4, %get3A_5] : memref<128x16xf32, #tpu.memory_space<vmem>>, vector<128x16xf32>
    %get3A_7 = arith.constant 0 : index
    %get3A_8 = arith.constant 0 : index
    %get3A_9 = vector.load %arg3[%get3A_7, %get3A_8] : memref<128x128xf32, #tpu.memory_space<vmem>>, vector<128x128xf32>
    %get3A_10 = arith.constant 0 : index
    %get3A_11 = arith.constant 0 : index
    %get3A_12 = vector.load %arg4[%get3A_10, %get3A_11] : memref<2048x128xf32, #tpu.memory_space<vmem>>, vector<2048x128xf32>
    %get3A_13 = arith.constant 0 : index
    %get3A_14 = arith.constant 0 : index
    %get3A_15 = vector.load %arg5[%get3A_13, %get3A_14] : memref<16x16xf32, #tpu.memory_space<vmem>>, vector<16x16xf32>
    %get3A_16 = arith.constant 0 : index
    %get3A_17 = arith.constant 0 : index
    %get3A_18 = vector.load %arg6[%get3A_16, %get3A_17] : memref<2x16xf32, #tpu.memory_space<vmem>>, vector<2x16xf32>
    %get3A_19 = arith.constant 0 : index
    %get3A_20 = arith.constant 0 : index
    %get3A_21 = vector.load %arg7[%get3A_19, %get3A_20] : memref<128x16xf32, #tpu.memory_space<vmem>>, vector<128x16xf32>
    %get3A_22 = arith.constant 0 : index
    %get3A_23 = arith.constant 0 : index
    %get3A_24 = vector.load %arg8[%get3A_22, %get3A_23] : memref<1x128xf32, #tpu.memory_space<vmem>>, vector<1x128xf32>
    %reshape3A = vector.shape_cast %get3A_3 : vector<2048x16xf32> to vector<128x16x16xf32>
    %broadcast_in_dim3A = vector.shape_cast %get3A_6 : vector<128x16xf32> to vector<128x1x16xf32>
    %sub3A = vector.broadcast %broadcast_in_dim3A : vector<128x1x16xf32> to vector<128x16x16xf32>
    %sub3A_25 = arith.subf %reshape3A, %sub3A : vector<128x16x16xf32>
    %reshape3A_26 = vector.shape_cast %sub3A_25 : vector<128x16x16xf32> to vector<2048x16xf32>
    %dot_general3A = arith.constant dense<0.000000e+00> : vector<2048x16xf32>
    %dot_general3A_27 = tpu.matmul %reshape3A_26, %get3A_15, %dot_general3A {dimension_numbers = #tpu.dot_dimension_numbers<[1], [1], [0], [0], [0, 0, 1, 0], [], []>, transpose_lhs_hint = false} : vector<2048x16xf32>, vector<16x16xf32>, vector<2048x16xf32> -> vector<2048x16xf32>
    %slice3A = vector.extract_strided_slice %get3A_18 {offsets = [0, 0], sizes = [1, 16], strides = [1, 1]} : vector<2x16xf32> to vector<1x16xf32>
    %mul3A = vector.broadcast %slice3A : vector<1x16xf32> to vector<2048x16xf32>
    %mul3A_28 = arith.mulf %dot_general3A_27, %mul3A : vector<2048x16xf32>
    %slice3A_29 = vector.extract_strided_slice %get3A_18 {offsets = [1, 0], sizes = [1, 16], strides = [1, 1]} : vector<2x16xf32> to vector<1x16xf32>
    %add3A = vector.broadcast %slice3A_29 : vector<1x16xf32> to vector<2048x16xf32>
    %add3A_30 = arith.addf %mul3A_28, %add3A : vector<2048x16xf32>
    %max3A = arith.constant 0.000000e+00 : f32
    %max3A_31 = vector.broadcast %max3A : f32 to vector<2048x16xf32>
    %max3A_32 = arith.maximumf %add3A_30, %max3A_31 : vector<2048x16xf32>
    %dot_general3A_33 = arith.constant dense<0.000000e+00> : vector<2048x128xf32>
    %dot_general3A_34 = tpu.matmul %max3A_32, %get3A_21, %dot_general3A_33 {dimension_numbers = #tpu.dot_dimension_numbers<[1], [1], [0], [0], [0, 0, 1, 0], [], []>, transpose_lhs_hint = false} : vector<2048x16xf32>, vector<128x16xf32>, vector<2048x128xf32> -> vector<2048x128xf32>
    %add3A_35 = vector.broadcast %get3A_24 : vector<1x128xf32> to vector<2048x128xf32>
    %add3A_36 = arith.addf %dot_general3A_34, %add3A_35 : vector<2048x128xf32>
    %broadcast_in_dim3A_37 = vector.shape_cast %get3A_9 : vector<128x128xf32> to vector<128x1x128xf32>
    %broadcast_in_dim3A_38 = vector.shape_cast %broadcast_in_dim3A_37 : vector<128x1x128xf32> to vector<128x1x128xf32>
    %broadcast_in_dim3A_39 = vector.broadcast %broadcast_in_dim3A_38 : vector<128x1x128xf32> to vector<128x16x128xf32>
    %reshape3A_40 = vector.shape_cast %broadcast_in_dim3A_39 : vector<128x16x128xf32> to vector<2048x128xf32>
    %sub3A_41 = arith.subf %reshape3A_40, %get3A_12 : vector<2048x128xf32>
    %add3A_42 = arith.addf %sub3A_41, %add3A_36 : vector<2048x128xf32>
    %get3A_43 = arith.constant 0 : index
    %get3A_44 = arith.constant 0 : index
    %get3A_45 = vector.load %arg9[%get3A_43, %get3A_44] : memref<2x128xf32, #tpu.memory_space<vmem>>, vector<1x128xf32>
    %mul3A_46 = vector.broadcast %get3A_45 : vector<1x128xf32> to vector<2048x128xf32>
    %mul3A_47 = arith.mulf %add3A_42, %mul3A_46 : vector<2048x128xf32>
    %get3A_48 = arith.constant 1 : index
    %get3A_49 = arith.constant 0 : index
    %get3A_50 = vector.load %arg9[%get3A_48, %get3A_49] : memref<2x128xf32, #tpu.memory_space<vmem>>, vector<1x128xf32>
    %add3A_51 = vector.broadcast %get3A_50 : vector<1x128xf32> to vector<2048x128xf32>
    %add3A_52 = arith.addf %mul3A_47, %add3A_51 : vector<2048x128xf32>
    %max3A_53 = arith.constant 0.000000e+00 : f32
    %max3A_54 = vector.broadcast %max3A_53 : f32 to vector<2048x128xf32>
    %max3A_55 = arith.maximumf %add3A_52, %max3A_54 : vector<2048x128xf32>
    %get3A_56 = arith.constant 0 : index
    %get3A_57 = arith.constant 0 : index
    %get3A_58 = vector.load %arg10[%get3A_56, %get3A_57] : memref<128x128xf32, #tpu.memory_space<vmem>>, vector<128x128xf32>
    %dot_general3A_59 = arith.constant dense<0.000000e+00> : vector<2048x128xf32>
    %dot_general3A_60 = tpu.matmul %max3A_55, %get3A_58, %dot_general3A_59 {dimension_numbers = #tpu.dot_dimension_numbers<[1], [1], [0], [0], [0, 0, 1, 0], [], []>, transpose_lhs_hint = false} : vector<2048x128xf32>, vector<128x128xf32>, vector<2048x128xf32> -> vector<2048x128xf32>
    %reduce_sum3A = arith.constant dense<0.000000e+00> : vector<128xf32>
    %reduce_sum3A_61 = vector.multi_reduction <add>, %dot_general3A_60, %reduce_sum3A [0] : vector<2048x128xf32> to vector<128xf32>
    %mul3A_62 = arith.mulf %dot_general3A_60, %dot_general3A_60 : vector<2048x128xf32>
    %reduce_sum3A_63 = arith.constant dense<0.000000e+00> : vector<128xf32>
    %reduce_sum3A_64 = vector.multi_reduction <add>, %mul3A_62, %reduce_sum3A_63 [0] : vector<2048x128xf32> to vector<128xf32>
    %broadcast_in_dim3A_65 = arith.constant 0.000000e+00 : f32
    %broadcast_in_dim3A_66 = vector.broadcast %broadcast_in_dim3A_65 : f32 to vector<128xf32>
    %get3A_67 = arith.constant 0 : index
    %get3A_68 = arith.constant 0 : index
    %get3A_69 = vector.load %arg11[%get3A_67, %get3A_68] : memref<8x128xf32, #tpu.memory_space<vmem>>, vector<8x128xf32>
    %stack3A = vector.shape_cast %reduce_sum3A_61 : vector<128xf32> to vector<1x128xf32>
    %stack3A_70 = vector.shape_cast %reduce_sum3A_64 : vector<128xf32> to vector<1x128xf32>
    %stack3A_71 = vector.shape_cast %broadcast_in_dim3A_66 : vector<128xf32> to vector<1x128xf32>
    %stack3A_72 = vector.shape_cast %broadcast_in_dim3A_66 : vector<128xf32> to vector<1x128xf32>
    %stack3A_73 = vector.shape_cast %broadcast_in_dim3A_66 : vector<128xf32> to vector<1x128xf32>
    %stack3A_74 = vector.shape_cast %broadcast_in_dim3A_66 : vector<128xf32> to vector<1x128xf32>
    %stack3A_75 = vector.shape_cast %broadcast_in_dim3A_66 : vector<128xf32> to vector<1x128xf32>
    %stack3A_76 = vector.shape_cast %broadcast_in_dim3A_66 : vector<128xf32> to vector<1x128xf32>
    %stack3A_77 = tpu.concatenate %stack3A, %stack3A_70, %stack3A_71, %stack3A_72, %stack3A_73, %stack3A_74, %stack3A_75, %stack3A_76 in 0 : vector<1x128xf32>, vector<1x128xf32>, vector<1x128xf32>, vector<1x128xf32>, vector<1x128xf32>, vector<1x128xf32>, vector<1x128xf32>, vector<1x128xf32> -> vector<8x128xf32>
    %add3A_78 = arith.addf %get3A_69, %stack3A_77 : vector<8x128xf32>
    %swap3A = arith.constant 0 : index
    %swap3A_79 = arith.constant 0 : index
    %swap3A_80 = vector.load %arg11[%swap3A, %swap3A_79] : memref<8x128xf32, #tpu.memory_space<vmem>>, vector<8x128xf32>
    tpu.vector_store %arg11[%swap3A, %swap3A_79], %add3A_78 {strides = array<i32>} : memref<8x128xf32, #tpu.memory_space<vmem>>, vector<8x128xf32>,
    return
  }
  func.func @transform_0(%arg0: i32) -> (i32, i32) {
    %c0_i32 = arith.constant 0 : i32
    %c0_i32_0 = arith.constant 0 : i32
    return %arg0, %c0_i32 : i32, i32
  }
  func.func @transform_1(%arg0: i32) -> (i32, i32) {
    %c0_i32 = arith.constant 0 : i32
    %c0_i32_0 = arith.constant 0 : i32
    return %arg0, %c0_i32 : i32, i32
  }
  func.func @transform_2(%arg0: i32) -> (i32, i32) {
    %c0_i32 = arith.constant 0 : i32
    %c0_i32_0 = arith.constant 0 : i32
    return %arg0, %c0_i32 : i32, i32
  }
  func.func @transform_3(%arg0: i32) -> (i32, i32) {
    %c0_i32 = arith.constant 0 : i32
    %c0_i32_0 = arith.constant 0 : i32
    return %arg0, %c0_i32 : i32, i32
  }
  func.func @transform_4(%arg0: i32) -> (i32, i32) {
    %c0_i32 = arith.constant 0 : i32
    %c0_i32_0 = arith.constant 0 : i32
    %c0_i32_1 = arith.constant 0 : i32
    return %c0_i32, %c0_i32_0 : i32, i32
  }
  func.func @transform_5(%arg0: i32) -> (i32, i32) {
    %c0_i32 = arith.constant 0 : i32
    %c0_i32_0 = arith.constant 0 : i32
    %c0_i32_1 = arith.constant 0 : i32
    return %c0_i32, %c0_i32_0 : i32, i32
  }
  func.func @transform_6(%arg0: i32) -> (i32, i32) {
    %c0_i32 = arith.constant 0 : i32
    %c0_i32_0 = arith.constant 0 : i32
    %c0_i32_1 = arith.constant 0 : i32
    return %c0_i32, %c0_i32_0 : i32, i32
  }
  func.func @transform_7(%arg0: i32) -> (i32, i32) {
    %c0_i32 = arith.constant 0 : i32
    %c0_i32_0 = arith.constant 0 : i32
    %c0_i32_1 = arith.constant 0 : i32
    return %c0_i32, %c0_i32_0 : i32, i32
  }
  func.func @transform_8(%arg0: i32) -> (i32, i32) {
    %c0_i32 = arith.constant 0 : i32
    %c0_i32_0 = arith.constant 0 : i32
    %c0_i32_1 = arith.constant 0 : i32
    return %c0_i32, %c0_i32_0 : i32, i32
  }
  func.func @transform_9(%arg0: i32) -> (i32, i32) {
    %c0_i32 = arith.constant 0 : i32
    %c0_i32_0 = arith.constant 0 : i32
    %c0_i32_1 = arith.constant 0 : i32
    return %c0_i32, %c0_i32_0 : i32, i32
  }
  func.func @transform_10(%arg0: i32) -> (i32, i32) {
    %c0_i32 = arith.constant 0 : i32
    %c0_i32_0 = arith.constant 0 : i32
    %c0_i32_1 = arith.constant 0 : i32
    return %c0_i32, %c0_i32_0 : i32, i32
  }
}

module attributes {stable_mosaic.version = 14 : i64} {
  func.func @_final_body(%arg0: i32, %arg1: memref<2048x16xf32, #tpu.memory_space<vmem>>, %arg2: memref<128x16xf32, #tpu.memory_space<vmem>>, %arg3: memref<128x128xf32, #tpu.memory_space<vmem>>, %arg4: memref<2048x128xf32, #tpu.memory_space<vmem>>, %arg5: memref<2048x128xf32, #tpu.memory_space<vmem>>, %arg6: memref<16x16xf32, #tpu.memory_space<vmem>>, %arg7: memref<2x16xf32, #tpu.memory_space<vmem>>, %arg8: memref<128x16xf32, #tpu.memory_space<vmem>>, %arg9: memref<1x128xf32, #tpu.memory_space<vmem>>, %arg10: memref<2x128xf32, #tpu.memory_space<vmem>>, %arg11: memref<128x128xf32, #tpu.memory_space<vmem>>, %arg12: memref<2x128xf32, #tpu.memory_space<vmem>>, %arg13: memref<128x128xf32, #tpu.memory_space<vmem>>, %arg14: memref<1x128xf32, #tpu.memory_space<vmem>>, %arg15: memref<1x128x128xf32, #tpu.memory_space<vmem>>) attributes {dimension_semantics = [#tpu.dimension_semantics<arbitrary>], iteration_bounds = array<i64: 128>, scalar_prefetch = 0 : i64, scratch_operands = 0 : i64, tpu.core_type = #tpu.core_type<tc>, window_params = [{transform_indices = @transform_0, window_bounds = array<i64: 2048, 16>}, {transform_indices = @transform_1, window_bounds = array<i64: 128, 16>}, {transform_indices = @transform_2, window_bounds = array<i64: 128, 128>}, {transform_indices = @transform_3, window_bounds = array<i64: 2048, 128>}, {transform_indices = @transform_4, window_bounds = array<i64: 2048, 128>}, {pipeline_mode = #tpu.pipeline_mode<synchronous>, transform_indices = @transform_5, window_bounds = array<i64: 16, 16>}, {pipeline_mode = #tpu.pipeline_mode<synchronous>, transform_indices = @transform_6, window_bounds = array<i64: 2, 16>}, {pipeline_mode = #tpu.pipeline_mode<synchronous>, transform_indices = @transform_7, window_bounds = array<i64: 128, 16>}, {pipeline_mode = #tpu.pipeline_mode<synchronous>, transform_indices = @transform_8, window_bounds = array<i64: 1, 128>}, {pipeline_mode = #tpu.pipeline_mode<synchronous>, transform_indices = @transform_9, window_bounds = array<i64: 2, 128>}, {pipeline_mode = #tpu.pipeline_mode<synchronous>, transform_indices = @transform_10, window_bounds = array<i64: 128, 128>}, {pipeline_mode = #tpu.pipeline_mode<synchronous>, transform_indices = @transform_11, window_bounds = array<i64: 2, 128>}, {pipeline_mode = #tpu.pipeline_mode<synchronous>, transform_indices = @transform_12, window_bounds = array<i64: 128, 128>}, {pipeline_mode = #tpu.pipeline_mode<synchronous>, transform_indices = @transform_13, window_bounds = array<i64: 1, 128>}, {transform_indices = @transform_14, window_bounds = array<i64: 1, 128, 128>}]} {
    %get3A = arith.constant 0 : index
    %get3A_0 = arith.constant 0 : index
    %get3A_1 = vector.load %arg1[%get3A, %get3A_0] : memref<2048x16xf32, #tpu.memory_space<vmem>>, vector<2048x16xf32>
    %get3A_2 = arith.constant 0 : index
    %get3A_3 = arith.constant 0 : index
    %get3A_4 = vector.load %arg2[%get3A_2, %get3A_3] : memref<128x16xf32, #tpu.memory_space<vmem>>, vector<128x16xf32>
    %get3A_5 = arith.constant 0 : index
    %get3A_6 = arith.constant 0 : index
    %get3A_7 = vector.load %arg3[%get3A_5, %get3A_6] : memref<128x128xf32, #tpu.memory_space<vmem>>, vector<128x128xf32>
    %get3A_8 = arith.constant 0 : index
    %get3A_9 = arith.constant 0 : index
    %get3A_10 = vector.load %arg4[%get3A_8, %get3A_9] : memref<2048x128xf32, #tpu.memory_space<vmem>>, vector<2048x128xf32>
    %get3A_11 = arith.constant 0 : index
    %get3A_12 = arith.constant 0 : index
    %get3A_13 = vector.load %arg6[%get3A_11, %get3A_12] : memref<16x16xf32, #tpu.memory_space<vmem>>, vector<16x16xf32>
    %get3A_14 = arith.constant 0 : index
    %get3A_15 = arith.constant 0 : index
    %get3A_16 = vector.load %arg7[%get3A_14, %get3A_15] : memref<2x16xf32, #tpu.memory_space<vmem>>, vector<2x16xf32>
    %get3A_17 = arith.constant 0 : index
    %get3A_18 = arith.constant 0 : index
    %get3A_19 = vector.load %arg8[%get3A_17, %get3A_18] : memref<128x16xf32, #tpu.memory_space<vmem>>, vector<128x16xf32>
    %get3A_20 = arith.constant 0 : index
    %get3A_21 = arith.constant 0 : index
    %get3A_22 = vector.load %arg9[%get3A_20, %get3A_21] : memref<1x128xf32, #tpu.memory_space<vmem>>, vector<1x128xf32>
    %reshape3A = vector.shape_cast %get3A_1 : vector<2048x16xf32> to vector<128x16x16xf32>
    %broadcast_in_dim3A = vector.shape_cast %get3A_4 : vector<128x16xf32> to vector<128x1x16xf32>
    %sub3A = vector.broadcast %broadcast_in_dim3A : vector<128x1x16xf32> to vector<128x16x16xf32>
    %sub3A_23 = arith.subf %reshape3A, %sub3A : vector<128x16x16xf32>
    %reshape3A_24 = vector.shape_cast %sub3A_23 : vector<128x16x16xf32> to vector<2048x16xf32>
    %dot_general3A = arith.constant dense<0.000000e+00> : vector<2048x16xf32>
    %dot_general3A_25 = tpu.matmul %reshape3A_24, %get3A_13, %dot_general3A {dimension_numbers = #tpu.dot_dimension_numbers<[1], [1], [0], [0], [0, 0, 1, 0], [], []>, transpose_lhs_hint = false} : vector<2048x16xf32>, vector<16x16xf32>, vector<2048x16xf32> -> vector<2048x16xf32>
    %slice3A = vector.extract_strided_slice %get3A_16 {offsets = [0, 0], sizes = [1, 16], strides = [1, 1]} : vector<2x16xf32> to vector<1x16xf32>
    %mul3A = vector.broadcast %slice3A : vector<1x16xf32> to vector<2048x16xf32>
    %mul3A_26 = arith.mulf %dot_general3A_25, %mul3A : vector<2048x16xf32>
    %slice3A_27 = vector.extract_strided_slice %get3A_16 {offsets = [1, 0], sizes = [1, 16], strides = [1, 1]} : vector<2x16xf32> to vector<1x16xf32>
    %add3A = vector.broadcast %slice3A_27 : vector<1x16xf32> to vector<2048x16xf32>
    %add3A_28 = arith.addf %mul3A_26, %add3A : vector<2048x16xf32>
    %max3A = arith.constant 0.000000e+00 : f32
    %max3A_29 = vector.broadcast %max3A : f32 to vector<2048x16xf32>
    %max3A_30 = arith.maximumf %add3A_28, %max3A_29 : vector<2048x16xf32>
    %dot_general3A_31 = arith.constant dense<0.000000e+00> : vector<2048x128xf32>
    %dot_general3A_32 = tpu.matmul %max3A_30, %get3A_19, %dot_general3A_31 {dimension_numbers = #tpu.dot_dimension_numbers<[1], [1], [0], [0], [0, 0, 1, 0], [], []>, transpose_lhs_hint = false} : vector<2048x16xf32>, vector<128x16xf32>, vector<2048x128xf32> -> vector<2048x128xf32>
    %add3A_33 = vector.broadcast %get3A_22 : vector<1x128xf32> to vector<2048x128xf32>
    %add3A_34 = arith.addf %dot_general3A_32, %add3A_33 : vector<2048x128xf32>
    %broadcast_in_dim3A_35 = vector.shape_cast %get3A_7 : vector<128x128xf32> to vector<128x1x128xf32>
    %broadcast_in_dim3A_36 = vector.shape_cast %broadcast_in_dim3A_35 : vector<128x1x128xf32> to vector<128x1x128xf32>
    %broadcast_in_dim3A_37 = vector.broadcast %broadcast_in_dim3A_36 : vector<128x1x128xf32> to vector<128x16x128xf32>
    %reshape3A_38 = vector.shape_cast %broadcast_in_dim3A_37 : vector<128x16x128xf32> to vector<2048x128xf32>
    %sub3A_39 = arith.subf %reshape3A_38, %get3A_10 : vector<2048x128xf32>
    %add3A_40 = arith.addf %sub3A_39, %add3A_34 : vector<2048x128xf32>
    %get3A_41 = arith.constant 0 : index
    %get3A_42 = arith.constant 0 : index
    %get3A_43 = vector.load %arg10[%get3A_41, %get3A_42] : memref<2x128xf32, #tpu.memory_space<vmem>>, vector<1x128xf32>
    %mul3A_44 = vector.broadcast %get3A_43 : vector<1x128xf32> to vector<2048x128xf32>
    %mul3A_45 = arith.mulf %add3A_40, %mul3A_44 : vector<2048x128xf32>
    %get3A_46 = arith.constant 1 : index
    %get3A_47 = arith.constant 0 : index
    %get3A_48 = vector.load %arg10[%get3A_46, %get3A_47] : memref<2x128xf32, #tpu.memory_space<vmem>>, vector<1x128xf32>
    %add3A_49 = vector.broadcast %get3A_48 : vector<1x128xf32> to vector<2048x128xf32>
    %add3A_50 = arith.addf %mul3A_45, %add3A_49 : vector<2048x128xf32>
    %max3A_51 = arith.constant 0.000000e+00 : f32
    %max3A_52 = vector.broadcast %max3A_51 : f32 to vector<2048x128xf32>
    %max3A_53 = arith.maximumf %add3A_50, %max3A_52 : vector<2048x128xf32>
    %get3A_54 = arith.constant 0 : index
    %get3A_55 = arith.constant 0 : index
    %get3A_56 = vector.load %arg11[%get3A_54, %get3A_55] : memref<128x128xf32, #tpu.memory_space<vmem>>, vector<128x128xf32>
    %dot_general3A_57 = arith.constant dense<0.000000e+00> : vector<2048x128xf32>
    %dot_general3A_58 = tpu.matmul %max3A_53, %get3A_56, %dot_general3A_57 {dimension_numbers = #tpu.dot_dimension_numbers<[1], [1], [0], [0], [0, 0, 1, 0], [], []>, transpose_lhs_hint = false} : vector<2048x128xf32>, vector<128x128xf32>, vector<2048x128xf32> -> vector<2048x128xf32>
    %get3A_59 = arith.constant 0 : index
    %get3A_60 = arith.constant 0 : index
    %get3A_61 = vector.load %arg12[%get3A_59, %get3A_60] : memref<2x128xf32, #tpu.memory_space<vmem>>, vector<1x128xf32>
    %mul3A_62 = vector.broadcast %get3A_61 : vector<1x128xf32> to vector<2048x128xf32>
    %mul3A_63 = arith.mulf %dot_general3A_58, %mul3A_62 : vector<2048x128xf32>
    %get3A_64 = arith.constant 1 : index
    %get3A_65 = arith.constant 0 : index
    %get3A_66 = vector.load %arg12[%get3A_64, %get3A_65] : memref<2x128xf32, #tpu.memory_space<vmem>>, vector<1x128xf32>
    %add3A_67 = vector.broadcast %get3A_66 : vector<1x128xf32> to vector<2048x128xf32>
    %add3A_68 = arith.addf %mul3A_63, %add3A_67 : vector<2048x128xf32>
    %max3A_69 = arith.constant 0.000000e+00 : f32
    %max3A_70 = vector.broadcast %max3A_69 : f32 to vector<2048x128xf32>
    %max3A_71 = arith.maximumf %add3A_68, %max3A_70 : vector<2048x128xf32>
    %get3A_72 = arith.constant 0 : index
    %get3A_73 = arith.constant 0 : index
    %get3A_74 = vector.load %arg13[%get3A_72, %get3A_73] : memref<128x128xf32, #tpu.memory_space<vmem>>, vector<128x128xf32>
    %dot_general3A_75 = arith.constant dense<0.000000e+00> : vector<2048x128xf32>
    %dot_general3A_76 = tpu.matmul %max3A_71, %get3A_74, %dot_general3A_75 {dimension_numbers = #tpu.dot_dimension_numbers<[1], [1], [0], [0], [0, 0, 1, 0], [], []>, transpose_lhs_hint = false} : vector<2048x128xf32>, vector<128x128xf32>, vector<2048x128xf32> -> vector<2048x128xf32>
    %get3A_77 = arith.constant 0 : index
    %get3A_78 = arith.constant 0 : index
    %get3A_79 = vector.load %arg14[%get3A_77, %get3A_78] : memref<1x128xf32, #tpu.memory_space<vmem>>, vector<1x128xf32>
    %add3A_80 = vector.broadcast %get3A_79 : vector<1x128xf32> to vector<2048x128xf32>
    %add3A_81 = arith.addf %dot_general3A_76, %add3A_80 : vector<2048x128xf32>
    %reshape3A_82 = vector.shape_cast %add3A_81 : vector<2048x128xf32> to vector<128x16x128xf32>
    %slice3A_83 = vector.extract_strided_slice %reshape3A_82 {offsets = [0, 0, 0], sizes = [128, 8, 128], strides = [1, 1, 1]} : vector<128x16x128xf32> to vector<128x8x128xf32>
    %slice3A_84 = vector.extract_strided_slice %reshape3A_82 {offsets = [0, 8, 0], sizes = [128, 8, 128], strides = [1, 1, 1]} : vector<128x16x128xf32> to vector<128x8x128xf32>
    %max3A_85 = arith.maximumf %slice3A_83, %slice3A_84 : vector<128x8x128xf32>
    %slice3A_86 = vector.extract_strided_slice %max3A_85 {offsets = [0, 0, 0], sizes = [128, 4, 128], strides = [1, 1, 1]} : vector<128x8x128xf32> to vector<128x4x128xf32>
    %slice3A_87 = vector.extract_strided_slice %max3A_85 {offsets = [0, 4, 0], sizes = [128, 4, 128], strides = [1, 1, 1]} : vector<128x8x128xf32> to vector<128x4x128xf32>
    %max3A_88 = arith.maximumf %slice3A_86, %slice3A_87 : vector<128x4x128xf32>
    %slice3A_89 = vector.extract_strided_slice %max3A_88 {offsets = [0, 0, 0], sizes = [128, 2, 128], strides = [1, 1, 1]} : vector<128x4x128xf32> to vector<128x2x128xf32>
    %slice3A_90 = vector.extract_strided_slice %max3A_88 {offsets = [0, 2, 0], sizes = [128, 2, 128], strides = [1, 1, 1]} : vector<128x4x128xf32> to vector<128x2x128xf32>
    %max3A_91 = arith.maximumf %slice3A_89, %slice3A_90 : vector<128x2x128xf32>
    %slice3A_92 = vector.extract_strided_slice %max3A_91 {offsets = [0, 0, 0], sizes = [128, 1, 128], strides = [1, 1, 1]} : vector<128x2x128xf32> to vector<128x1x128xf32>
    %slice3A_93 = vector.extract_strided_slice %max3A_91 {offsets = [0, 1, 0], sizes = [128, 1, 128], strides = [1, 1, 1]} : vector<128x2x128xf32> to vector<128x1x128xf32>
    %max3A_94 = arith.maximumf %slice3A_92, %slice3A_93 : vector<128x1x128xf32>
    %sub3A_95 = vector.broadcast %max3A_94 : vector<128x1x128xf32> to vector<128x16x128xf32>
    %sub3A_96 = arith.subf %reshape3A_82, %sub3A_95 : vector<128x16x128xf32>
    %exp3A = math.exp %sub3A_96 : vector<128x16x128xf32>
    %slice3A_97 = vector.extract_strided_slice %exp3A {offsets = [0, 0, 0], sizes = [128, 8, 128], strides = [1, 1, 1]} : vector<128x16x128xf32> to vector<128x8x128xf32>
    %slice3A_98 = vector.extract_strided_slice %exp3A {offsets = [0, 8, 0], sizes = [128, 8, 128], strides = [1, 1, 1]} : vector<128x16x128xf32> to vector<128x8x128xf32>
    %add3A_99 = arith.addf %slice3A_97, %slice3A_98 : vector<128x8x128xf32>
    %slice3A_100 = vector.extract_strided_slice %add3A_99 {offsets = [0, 0, 0], sizes = [128, 4, 128], strides = [1, 1, 1]} : vector<128x8x128xf32> to vector<128x4x128xf32>
    %slice3A_101 = vector.extract_strided_slice %add3A_99 {offsets = [0, 4, 0], sizes = [128, 4, 128], strides = [1, 1, 1]} : vector<128x8x128xf32> to vector<128x4x128xf32>
    %add3A_102 = arith.addf %slice3A_100, %slice3A_101 : vector<128x4x128xf32>
    %slice3A_103 = vector.extract_strided_slice %add3A_102 {offsets = [0, 0, 0], sizes = [128, 2, 128], strides = [1, 1, 1]} : vector<128x4x128xf32> to vector<128x2x128xf32>
    %slice3A_104 = vector.extract_strided_slice %add3A_102 {offsets = [0, 2, 0], sizes = [128, 2, 128], strides = [1, 1, 1]} : vector<128x4x128xf32> to vector<128x2x128xf32>
    %add3A_105 = arith.addf %slice3A_103, %slice3A_104 : vector<128x2x128xf32>
    %slice3A_106 = vector.extract_strided_slice %add3A_105 {offsets = [0, 0, 0], sizes = [128, 1, 128], strides = [1, 1, 1]} : vector<128x2x128xf32> to vector<128x1x128xf32>
    %slice3A_107 = vector.extract_strided_slice %add3A_105 {offsets = [0, 1, 0], sizes = [128, 1, 128], strides = [1, 1, 1]} : vector<128x2x128xf32> to vector<128x1x128xf32>
    %add3A_108 = arith.addf %slice3A_106, %slice3A_107 : vector<128x1x128xf32>
    %div3A = vector.broadcast %add3A_108 : vector<128x1x128xf32> to vector<128x16x128xf32>
    %div3A_109 = arith.divf %exp3A, %div3A : vector<128x16x128xf32>
    %get3A_110 = arith.constant 0 : index
    %get3A_111 = arith.constant 0 : index
    %get3A_112 = vector.load %arg5[%get3A_110, %get3A_111] : memref<2048x128xf32, #tpu.memory_space<vmem>>, vector<2048x128xf32>
    %reshape3A_113 = vector.shape_cast %get3A_112 : vector<2048x128xf32> to vector<128x16x128xf32>
    %reshape3A_114 = vector.shape_cast %add3A_34 : vector<2048x128xf32> to vector<128x16x128xf32>
    %add3A_115 = arith.addf %reshape3A_113, %reshape3A_114 : vector<128x16x128xf32>
    %mul3A_116 = arith.mulf %add3A_115, %div3A_109 : vector<128x16x128xf32>
    %slice3A_117 = vector.extract_strided_slice %mul3A_116 {offsets = [0, 0, 0], sizes = [128, 8, 128], strides = [1, 1, 1]} : vector<128x16x128xf32> to vector<128x8x128xf32>
    %slice3A_118 = vector.extract_strided_slice %mul3A_116 {offsets = [0, 8, 0], sizes = [128, 8, 128], strides = [1, 1, 1]} : vector<128x16x128xf32> to vector<128x8x128xf32>
    %add3A_119 = arith.addf %slice3A_117, %slice3A_118 : vector<128x8x128xf32>
    %slice3A_120 = vector.extract_strided_slice %add3A_119 {offsets = [0, 0, 0], sizes = [128, 4, 128], strides = [1, 1, 1]} : vector<128x8x128xf32> to vector<128x4x128xf32>
    %slice3A_121 = vector.extract_strided_slice %add3A_119 {offsets = [0, 4, 0], sizes = [128, 4, 128], strides = [1, 1, 1]} : vector<128x8x128xf32> to vector<128x4x128xf32>
    %add3A_122 = arith.addf %slice3A_120, %slice3A_121 : vector<128x4x128xf32>
    %slice3A_123 = vector.extract_strided_slice %add3A_122 {offsets = [0, 0, 0], sizes = [128, 2, 128], strides = [1, 1, 1]} : vector<128x4x128xf32> to vector<128x2x128xf32>
    %slice3A_124 = vector.extract_strided_slice %add3A_122 {offsets = [0, 2, 0], sizes = [128, 2, 128], strides = [1, 1, 1]} : vector<128x4x128xf32> to vector<128x2x128xf32>
    %add3A_125 = arith.addf %slice3A_123, %slice3A_124 : vector<128x2x128xf32>
    %slice3A_126 = vector.extract_strided_slice %add3A_125 {offsets = [0, 0, 0], sizes = [128, 1, 128], strides = [1, 1, 1]} : vector<128x2x128xf32> to vector<128x1x128xf32>
    %slice3A_127 = vector.extract_strided_slice %add3A_125 {offsets = [0, 1, 0], sizes = [128, 1, 128], strides = [1, 1, 1]} : vector<128x2x128xf32> to vector<128x1x128xf32>
    %add3A_128 = arith.addf %slice3A_126, %slice3A_127 : vector<128x1x128xf32>
    %reshape3A_129 = vector.shape_cast %add3A_128 : vector<128x1x128xf32> to vector<128x128xf32>
    %transpose3A = tpu.transpose %reshape3A_129, [1, 0] : vector<128x128xf32> -> vector<128x128xf32>
    %swap3A = arith.constant 0 : index
    %swap3A_130 = arith.constant 0 : index
    %swap3A_131 = arith.constant 0 : index
    %swap3A_132 = vector.load %arg15[%swap3A, %swap3A_130, %swap3A_131] : memref<1x128x128xf32, #tpu.memory_space<vmem>>, vector<1x128x128xf32>
    %swap3A_133 = vector.shape_cast %swap3A_132 : vector<1x128x128xf32> to vector<128x128xf32>
    %swap3A_134 = vector.shape_cast %transpose3A : vector<128x128xf32> to vector<1x128x128xf32>
    tpu.vector_store %arg15[%swap3A, %swap3A_130, %swap3A_131], %swap3A_134 {strides = array<i32>} : memref<1x128x128xf32, #tpu.memory_space<vmem>>, vector<1x128x128xf32>,
    return
  }
  func.func @transform_0(%arg0: i32) -> (i32, i32) {
    %c0_i32 = arith.constant 0 : i32
    %c0_i32_0 = arith.constant 0 : i32
    return %arg0, %c0_i32 : i32, i32
  }
  func.func @transform_1(%arg0: i32) -> (i32, i32) {
    %c0_i32 = arith.constant 0 : i32
    %c0_i32_0 = arith.constant 0 : i32
    return %arg0, %c0_i32 : i32, i32
  }
  func.func @transform_2(%arg0: i32) -> (i32, i32) {
    %c0_i32 = arith.constant 0 : i32
    %c0_i32_0 = arith.constant 0 : i32
    return %arg0, %c0_i32 : i32, i32
  }
  func.func @transform_3(%arg0: i32) -> (i32, i32) {
    %c0_i32 = arith.constant 0 : i32
    %c0_i32_0 = arith.constant 0 : i32
    return %arg0, %c0_i32 : i32, i32
  }
  func.func @transform_4(%arg0: i32) -> (i32, i32) {
    %c0_i32 = arith.constant 0 : i32
    %c0_i32_0 = arith.constant 0 : i32
    return %arg0, %c0_i32 : i32, i32
  }
  func.func @transform_5(%arg0: i32) -> (i32, i32) {
    %c0_i32 = arith.constant 0 : i32
    %c0_i32_0 = arith.constant 0 : i32
    %c0_i32_1 = arith.constant 0 : i32
    return %c0_i32, %c0_i32_0 : i32, i32
  }
  func.func @transform_6(%arg0: i32) -> (i32, i32) {
    %c0_i32 = arith.constant 0 : i32
    %c0_i32_0 = arith.constant 0 : i32
    %c0_i32_1 = arith.constant 0 : i32
    return %c0_i32, %c0_i32_0 : i32, i32
  }
  func.func @transform_7(%arg0: i32) -> (i32, i32) {
    %c0_i32 = arith.constant 0 : i32
    %c0_i32_0 = arith.constant 0 : i32
    %c0_i32_1 = arith.constant 0 : i32
    return %c0_i32, %c0_i32_0 : i32, i32
  }
  func.func @transform_8(%arg0: i32) -> (i32, i32) {
    %c0_i32 = arith.constant 0 : i32
    %c0_i32_0 = arith.constant 0 : i32
    %c0_i32_1 = arith.constant 0 : i32
    return %c0_i32, %c0_i32_0 : i32, i32
  }
  func.func @transform_9(%arg0: i32) -> (i32, i32) {
    %c0_i32 = arith.constant 0 : i32
    %c0_i32_0 = arith.constant 0 : i32
    %c0_i32_1 = arith.constant 0 : i32
    return %c0_i32, %c0_i32_0 : i32, i32
  }
  func.func @transform_10(%arg0: i32) -> (i32, i32) {
    %c0_i32 = arith.constant 0 : i32
    %c0_i32_0 = arith.constant 0 : i32
    %c0_i32_1 = arith.constant 0 : i32
    return %c0_i32, %c0_i32_0 : i32, i32
  }
  func.func @transform_11(%arg0: i32) -> (i32, i32) {
    %c0_i32 = arith.constant 0 : i32
    %c0_i32_0 = arith.constant 0 : i32
    %c0_i32_1 = arith.constant 0 : i32
    return %c0_i32, %c0_i32_0 : i32, i32
  }
  func.func @transform_12(%arg0: i32) -> (i32, i32) {
    %c0_i32 = arith.constant 0 : i32
    %c0_i32_0 = arith.constant 0 : i32
    %c0_i32_1 = arith.constant 0 : i32
    return %c0_i32, %c0_i32_0 : i32, i32
  }
  func.func @transform_13(%arg0: i32) -> (i32, i32) {
    %c0_i32 = arith.constant 0 : i32
    %c0_i32_0 = arith.constant 0 : i32
    %c0_i32_1 = arith.constant 0 : i32
    return %c0_i32, %c0_i32_0 : i32, i32
  }
  func.func @transform_14(%arg0: i32) -> (i32, i32, i32) {
    %jit3A = arith.constant 32 : i32
    %div3A = arith.divsi %arg0, %jit3A : i32
    %sign3A = arith.constant 0 : i32
    %sign3A_0 = arith.cmpi sgt, %arg0, %sign3A : i32
    %sign3A_1 = arith.extui %sign3A_0 : i1 to i32
    %sign3A_2 = arith.constant 0 : i32
    %sign3A_3 = arith.cmpi slt, %arg0, %sign3A_2 : i32
    %sign3A_4 = arith.extui %sign3A_3 : i1 to i32
    %sign3A_5 = arith.subi %sign3A_1, %sign3A_4 : i32
    %sign3A_6 = arith.constant 0 : i32
    %sign3A_7 = arith.cmpi sgt, %jit3A, %sign3A_6 : i32
    %sign3A_8 = arith.extui %sign3A_7 : i1 to i32
    %sign3A_9 = arith.constant 0 : i32
    %sign3A_10 = arith.cmpi slt, %jit3A, %sign3A_9 : i32
    %sign3A_11 = arith.extui %sign3A_10 : i1 to i32
    %sign3A_12 = arith.subi %sign3A_8, %sign3A_11 : i32
    %ne3A = arith.cmpi ne, %sign3A_5, %sign3A_12 : i32
    %rem3A = arith.remsi %arg0, %jit3A : i32
    %ne3A_13 = arith.constant 0 : i32
    %ne3A_14 = arith.cmpi ne, %rem3A, %ne3A_13 : i32
    %and3A = arith.andi %ne3A, %ne3A_14 : i1
    %sub3A = arith.constant 1 : i32
    %sub3A_15 = arith.subi %div3A, %sub3A : i32
    %select_n3A = arith.select %and3A, %sub3A_15, %div3A : i32
    %jit3A_16 = arith.constant 32 : i32
    %eq3A = arith.constant 0 : i32
    %eq3A_17 = arith.cmpi eq, %jit3A_16, %eq3A : i32
    %jit3A_18 = arith.constant 1 : i32
    %select_n3A_19 = arith.select %eq3A_17, %jit3A_18, %jit3A_16 : i32
    %rem3A_20 = arith.remsi %arg0, %select_n3A_19 : i32
    %ne3A_21 = arith.constant 0 : i32
    %ne3A_22 = arith.cmpi ne, %rem3A_20, %ne3A_21 : i32
    %lt3A = arith.constant 0 : i32
    %lt3A_23 = arith.cmpi slt, %rem3A_20, %lt3A : i32
    %lt3A_24 = arith.constant 0 : i32
    %lt3A_25 = arith.cmpi slt, %select_n3A_19, %lt3A_24 : i32
    %ne3A_26 = arith.xori %lt3A_23, %lt3A_25 : i1
    %and3A_27 = arith.andi %ne3A_26, %ne3A_22 : i1
    %add3A = arith.addi %rem3A_20, %select_n3A_19 : i32
    %select_n3A_28 = arith.select %and3A_27, %add3A, %rem3A_20 : i32
    %c0_i32 = arith.constant 0 : i32
    %c0_i32_29 = arith.constant 0 : i32
    return %select_n3A, %c0_i32, %select_n3A_28 : i32, i32, i32
  }
}

</mosaic_0001>

<sc_bundles>
// kernel: kernel.9.cloned.1.call-start
scs
__scs_entry_jumppad:
0x0: {  	(pc) =	sbr.rel $0x88, $3  }
0x1: {  	(tag) =	ssettag $0x0;
	lr =	simm.s32 $0x1  }
0x2: {  	[smem:$0x3F8D] =	sst lr;
	_ =	strace $0xD0000000  }
0x3: {  	_ = 	snop  }
0x4: {  	_ = 	snop  }
0x5: {  	_ = 	snop  }
0x6: {  	_ = 	snop  }
0x7: {  	_ = 	snop  }
__scs_overlays_trampoline_lowered:
0x8: {  	[smem:$0x3F9C] =	sst s0  }
0x9: {  	[smem:$0x3F9D] =	sst s1  }
0xa: {  	[smem:$0x3F9E] =	sst s2  }
0xb: {  	[smem:$0x3F9F] =	sst s3  }
0xc: {  	[smem:$0x3FA0] =	sst s4  }
0xd: {  	[smem:$0x3FA1] =	sst s5  }
0xe: {  	[smem:$0x3FA2] =	sst s6  }
0xf: {  	[smem:$0x3FA3] =	sst s7  }
0x10: {  	[smem:$0x3FA4] =	sst s8  }
0x11: {  	[smem:$0x3FA5] =	sst s9;
	s0 =	simm.s32 @!p0 $0x0  }
0x12: {  	s1 =	sld [smem:$0x3F8B];
	s0 =	simm.s32 @p0 $0x1  }
0x13: {  	[smem:$0x3FA6] =	sst s0;
	s0 =	simm.s32 @!p1 $0x0  }
0x14: {  	s2 =	sld [smem:$0x3F8A];
	s0 =	simm.s32 @p1 $0x1  }
0x15: {  	[smem:$0x3FA7] =	sst s0;
	s0 =	simm.s32 @!p2 $0x0  }
0x16: {  	s3 =	sld [smem:$0x3FDB];
	s0 =	simm.s32 @p2 $0x1  }
0x17: {  	s4 =	simm.s32 $0x1BF5;
	[smem:$0x3FA9] =	sst s0  }
0x18: {  	s0 =	sld [smem:$0x3F8C];
	_ =	swait.ge [sflag:s4], $0x0  }
0x19: {  	s7 =	sld [smem:$0x3F8D]  }
0x1a: {  	s8 =	sadd.s32 $0xFFFFE003, lr  }
0x1b: {  	s9 =	sadd.s32 $0xFFFFFEF7, lr;
	s5 =	simm.s32 $0xFFFFFFFF;
	p2 =	slt.u32 s8, $0xFFFFF086  }
0x1c: {  	p1 =	slt.u32 s9, $0xF7A;
	s5 =	simm.s32 @!p2 $0x0  }
0x1d: {  	s5 =	simm.s32 @p1 $0x1;
	p0 =	seq.s32 s7, s2  }
0x1e: {  	s7 =	smul.u32 @!p0 $0xF7A, s2;
	p2 =	seq.s32 @!p0 s5, $0x0  }
0x1f: {  	s9 =	smul.u32 $0xF7A, s1;
	s8 =	simm.s32 @!p0 $0x1BF5;
	p2 =	por !p2, p0  }
0x20: {  	[sflag:s8] =	ssyncset.s32 @!p0 $0xFFFFF086;
	s6 =	sadd.s32 @!p0 s3, s7;
	s7 =	simm.s32 @!p0 $0x108  }
0x21: {  	s3 =	sadd.s32 s3, s9;
	s6 =	sadd.s32 @!p0 $0x88, s6;
	s7 =	simm.s32 @p2 $0x1082  }
0x22: {  	[simem:s7], [sflag:s8] =	dma.local @!p0 [hbm:s6], $0xF7A  }
0x23: {  	s9 =	sor.u32 $0xD0000000, s2;
	s6 =	simm.s32 $0x108;
	_ =	swait.ge @!p0 [sflag:s8], $0x0  }
0x24: {  	s3 =	sadd.s32 $0x88, s3;
	s6 =	simm.s32 @!p1 $0x1082;
	[sflag:s4] =	ssyncset.s32 $0xFFFFF086  }
0x25: {  	[simem:s6], [sflag:s4] =	dma.local [hbm:s3], $0xF7A  }
0x26: {  	[smem:$0x3F8D] =	sst s1;
	(tag) =	ssettag s2;
	_ =	strace s9  }
0x27: {  	s1 =	sld [smem:$0x3F9D]  }
0x28: {  	s2 =	sld [smem:$0x3F9E]  }
0x29: {  	s4 =	sld [smem:$0x3FA0]  }
0x2a: {  	p0 =	seq.s32 s5, $0x0;
	s5 =	sld [smem:$0x3FA1]  }
0x2b: {  	s6 =	sld [smem:$0x3FA2]  }
0x2c: {  	s7 =	sld [smem:$0x3FA3]  }
0x2d: {  	s3 =	simm.s32 $0x108;
	s8 =	sld [smem:$0x3FA4]  }
0x2e: {  	s3 =	simm.s32 @!p0 $0x1082;
	s9 =	sld [smem:$0x3FA5]  }
0x2f: {  	lr =	sadd.s32 s0, s3;
	s0 =	sld [smem:$0x3F9C]  }
0x30: {  	s3 =	sld [smem:$0x3F9F]  }
0x31: {  	[smem:$0x3FA8] =	sst s10  }
0x32: {  	s10 =	sld [smem:$0x3FA6];
	_ =	sdelay $0x3  }
0x33: {  	p0 =	seq.s32 s10, $0x1;
	s10 =	sld [smem:$0x3FA8];
	_ =	sdelay $0x3  }
0x34: {  	[smem:$0x3FA8] =	sst s10  }
0x35: {  	s10 =	sld [smem:$0x3FA7];
	_ =	sdelay $0x3  }
0x36: {  	p1 =	seq.s32 s10, $0x1;
	s10 =	sld [smem:$0x3FA8];
	_ =	sdelay $0x3  }
0x37: {  	[smem:$0x3FA8] =	sst s10  }
0x38: {  	s10 =	sld [smem:$0x3FA9]  }
0x39: {  	_ = 	snop;
	(pc) =	sbr.ind lr, $3  }
0x3a: {  	_ = 	snop  }
0x3b: {  	_ = 	snop  }
0x3c: {  	p2 =	seq.s32 s10, $0x1;
	s10 =	sld [smem:$0x3FA8]  }
0x3d: {  	_ =	shalt  }
0x3e: {  	_ =	shalt  }
0x3f: {  	_ =	shalt  }
0x40: {  	_ =	shalt  }
0x41: {  	_ =	shalt  }
0x42: {  	_ =	shalt  }
0x43: {  	_ =	shalt  }
0x44: {  	_ =	shalt  }
0x45: {  	_ =	shalt  }
0x46: {  	_ =	shalt  }
0x47: {  	_ =	shalt  }
0x48: {  	_ =	shalt  }
0x49: {  	_ =	shalt  }
0x4a: {  	_ =	shalt  }
0x4b: {  	_ =	shalt  }
0x4c: {  	_ =	shalt  }
0x4d: {  	_ =	shalt  }
0x4e: {  	_ =	shalt  }
0x4f: {  	_ =	shalt  }
0x50: {  	_ =	shalt  }
0x51: {  	_ =	shalt  }
0x52: {  	_ =	shalt  }
0x53: {  	_ =	shalt  }
0x54: {  	_ =	shalt  }
0x55: {  	_ =	shalt  }
0x56: {  	_ =	shalt  }
0x57: {  	_ =	shalt  }
0x58: {  	_ =	shalt  }
0x59: {  	_ =	shalt  }
0x5a: {  	_ =	shalt  }
0x5b: {  	_ =	shalt  }
0x5c: {  	_ =	shalt  }
0x5d: {  	_ =	shalt  }
0x5e: {  	_ =	shalt  }
0x5f: {  	_ =	shalt  }
0x60: {  	_ =	shalt  }
0x61: {  	_ =	shalt  }
0x62: {  	_ =	shalt  }
0x63: {  	_ =	shalt  }
0x64: {  	_ =	shalt  }
0x65: {  	_ =	shalt  }
0x66: {  	_ =	shalt  }
0x67: {  	_ =	shalt  }
0x68: {  	_ =	shalt  }
0x69: {  	_ =	shalt  }
0x6a: {  	_ =	shalt  }
0x6b: {  	_ =	shalt  }
0x6c: {  	_ =	shalt  }
0x6d: {  	_ =	shalt  }
0x6e: {  	_ =	shalt  }
0x6f: {  	_ =	shalt  }
0x70: {  	_ =	shalt  }
0x71: {  	_ =	shalt  }
0x72: {  	_ =	shalt  }
0x73: {  	_ =	shalt  }
0x74: {  	_ =	shalt  }
0x75: {  	_ =	shalt  }
0x76: {  	_ =	shalt  }
0x77: {  	_ =	shalt  }
0x78: {  	_ =	shalt  }
0x79: {  	_ =	shalt  }
0x7a: {  	_ =	shalt  }
0x7b: {  	_ =	shalt  }
0x7c: {  	_ =	shalt  }
0x7d: {  	_ =	shalt  }
0x7e: {  	_ =	shalt  }
0x7f: {  	_ =	shalt  }
0x80: {  	_ =	shalt  }
0x81: {  	_ =	shalt  }
0x82: {  	_ =	shalt  }
0x83: {  	_ =	shalt  }
0x84: {  	_ =	shalt  }
0x85: {  	_ =	shalt  }
0x86: {  	_ =	shalt  }
0x87: {  	_ =	shalt  }
.Lfunc_end0:
.L_simem_size_0:
called_computation_lowered:
.L_overlay_start_0:
0x88: {  	s2 =	sld [smem:$0x3FD9]  }
0x89: {  	s3 =	sld [smem:$0x3FFE];
	_ =	sdelay $0x1  }
0x8a: {  	s1 =	srdreg.scid  }
0x8b: {  	s0 =	sand.u32 $0x1, s1  }
0x8c: {  	s17 =	sshll.u32 s0, $0xA;
	s2 =	sadd.s32 s3, s2  }
0x8d: {  	s2 =	sadd.s32 s2, s17  }
0x8e: {  	[smem:$0x3FB4] =	sst s2  }
0x8f: {  	_ = 	snop  }
0x90: {  	s2 =	sld [smem:$0x3FD0];
	(tm) =	ssettm $0x1  }
0x91: {  	s18 =	sld [smem:$0x3FFB];
	_ =	sdelay $0x3  }
0x92: {  	_ =	strace s18  }
0x93: {  	s3 =	sld [smem:$0x3FFC];
	_ =	sdelay $0x3  }
0x94: {  	_ =	strace s3  }
0x95: {  	s3 =	sld [smem:$0x3FFD];
	_ =	sdelay $0x3  }
0x96: {  	_ =	strace s3  }
0x97: {  	_ =	strace $0x8FFFFFFF  }
0x98: {  	s19 =	sld [smem:$0x3FDB];
	_ =	sdelay $0x1  }
0x99: {  	s4 =	simm.s32 $_scs_section_size  }
0x9a: {  	s5 =	simm.s32 $_size__tile_overlayer_lowered;
	s6 =	simm.s32 $_tile_overlayer_lowered  }
0x9b: {  	s22 =	simm.s32 $0x1BFF;
	s21 =	sshll.u32 s6, $0x1;
	s3 =	sadd.s32 s4, s19  }
0x9c: {  	s7 =	simm.s32 $0x0;
	s20 =	sshll.u32 s5, $0x1;
	s5 =	sadd.s32 s21, s3  }
0x9d: {  	[timem:s7], [sflag:s22] =	dma.local [hbm:s5], s20  }
0x9e: {  	_ =	swait.ge [sflag:s22], s20  }
0x9f: {  	s4 =	ssub.s32 $0x0, s20;
	[sflag:s22] =	ssyncset.done $0x0  }
0xa0: {  	[sflag:s22] =	ssyncadd.s32 s4;
	_ =	sdelay $0x1  }
0xa1: {  	s23 =	simm.s32 $0x1B8B  }
0xa2: {  	_ =	swait.ge [sflag:s23], $0x1  }
0xa3: {  	[sflag:s23] =	ssyncset.done $0x0  }
0xa4: {  	s25 =	simm.s32 $0x1B8E;
	s24 =	sld [smem:$0x3FFE];
	[sflag:s23] =	ssyncadd.s32 $0xFFFFFFFF  }
0xa5: {  	s26 =	simm.s32 $execute0_lowered;
	[smem:$0x3FD2] =	sst s25  }
0xa6: {  	s5 =	sshll.u32 s26, $0x1;
	_ =	strace $0x80000046;
	[dreg:$0x1] =	wrdreg $0xFFFFFFFF  }
0xa7: {  	s28 =	simm.s32 $_size_execute0_lowered;
	s3 =	sadd.s32 s3, s5;
	[dreg:$0x0] =	wrdreg $0x0  }
0xa8: {  	s5 =	sshll.u32 s28, $0x1;
	[dreg:$0x2] =	wrdreg s3  }
0xa9: {  	[dreg:$0x3] =	wrdreg s5  }
0xaa: {  	[dreg:$0x4] =	wrdreg $0xC0  }
0xab: {  	_ =	task [dreg:s7], $0x5FFFF  }
0xac: {  	[dreg:$0x1] =	wrdreg $0xFFFFFFFF  }
0xad: {  	[dreg:$0x0] =	wrdreg $0x60  }
0xae: {  	[dreg:$0x2] =	wrdreg s24  }
0xaf: {  	[dreg:$0x3] =	wrdreg s2  }
0xb0: {  	[dreg:$0x4] =	wrdreg $0x9  }
0xb1: {  	_ =	task.clear_ibuf [dreg:s7], $0x5FFFF;
	_ =	strace $0x90000046  }
0xb2: {  	s29 =	simm.s32 $0x9;
	_ =	strace $0x80000048  }
0xb3: {  	_ =	swait.ge [sflag:s29], $0x1  }
0xb4: {  	[sflag:s29] =	ssyncadd.s32 $0xFFFFFFFF  }
0xb5: {  	_ =	strace $0x90000048  }
0xb6: {  	_ =	sfence  }
0xb7: {  	s30 =	sld [smem:$0x0];
	_ =	sdelay $0x2  }
0xb8: {  	s31 =	sshll.u32 s1, $0xD;
	s1 =	sshrl.u32 s1, $0x2  }
0xb9: {  	s3 =	sand.u32 $0x4000, s31;
	s1 =	sadd.s32 s1, s30  }
0xba: {  	s0 =	sor.u32 s3, s0;
	s1 =	sshll.u32 s1, $0x11  }
0xbb: {  	s0 =	sor.u32 s1, s0  }
0xbc: {  	s0 =	sadd.s32 $0x8F2B, s0  }
0xbd: {  	[sflag:s0] =	ssyncadd.remote.s32 $0x1  }
0xbe: {  	_ =	sfence.sel $0xFFFF  }
0xbf: {  	[dreg:$0x0] =	wrdreg $0xFFFFFFFF;
	(pc) =	sbr.abs _section_cstart, $3  }
0xc0: {  	[dreg:$0x1] =	wrdreg $0xFFFFFFFF  }
0xc1: {  	_ =	task.clear_ibuf [dreg:s7], $0x2FFFF;
	_ =	strace $0x9FFFFFFF  }
0xc2: {  	(tm) =	ssettm $0x7FFFFFFF  }
0xc3: {  	_ =	shalt  }
tec
execute0_lowered:
.L_overlay_start_1:
0x0: {  	(tag) =	ssettag $0x1  }
0x1: {  	s6 =	rddreg [dreg:$0x0]  }
0x2: {  	s1 =	rddreg [dreg:$0x1]  }
0x3: {  	s0 =	rddreg [dreg:$0x2];
	s3 =	simm.s32 $0x0;
	s4 =	srdreg.scid  }
0x4: {  	s2 =	stileid.u32;
	s13 =	simm.s32 $0xA000;
	s14 =	simm.s32 $0x12000  }
0x5: {  	s15 =	simm.s32 $0x6000;
	s16 =	simm.s32 $0xE000;
	s17 =	simm.s32 $0x12800  }
0x6: {  	s18 =	simm.s32 $0x1;
	s19 =	simm.s32 $0x3;
	s20 =	simm.s32 $0x5  }
0x7: {  	s21 =	simm.s32 $0x2;
	s22 =	simm.s32 $0x4;
	s23 =	simm.s32 $0x6  }
0x8: {  	s24 =	simm.s32 $0x0;
	[smem:$0x7FF] =	sst s3;
	s7 =	sand.u32 $0x1, s4  }
0x9: {  	s8 =	sshll.u32 s2, $0xB;
	s4 =	sadd.s32 $0x13800, s6;
	s5 =	sadd.s32 $0x3800, s6  }
0xa: {  	s28 =	sshll.u32 s2, $0x12;
	s11 =	sshll.u32 s2, $0xF;
	_ =	strace $0x80000047  }
0xb: {  	s9 =	sshll.u32 s7, $0xA;
	s10 =	ssub.s32 $0x2, s7;
	s11 =	sadd.s32 s11, s6  }
0xc: {  	s29 =	sshll.u32 s7, $0x11;
	s30 =	sshll.u32 s7, $0xE;
	s8 =	sor.u32 s9, s8  }
0xd: {  	s9 =	sadd.s32 s28, s6;
	s12 =	sshrl.u32 s10, $0x1;
	s8 =	sadd.s32 s8, s6  }
0xe: {  	s10 =	ssub.s32 s10, s12;
	s9 =	sadd.s32 s29, s9;
	s12 =	simm.s32 $0x2000  }
0xf: {  	s6 =	sadd.s32 $0xB800, s8;
	s7 =	smax.u32 s10, $0x1;
	s8 =	sadd.s32 s30, s11  }
0x10: {  	s31 =	sadd.s32 $0x513800, s9;
	s9 =	sadd.s32 $0x113800, s9;
	s10 =	simm.s32 $0x7  }
0x11: {  	s11 =	simm.s32 $0x80;
	s8 =	sadd.s32 $0x93800, s8;
	[dreg:$0x3] =	wrdreg s31  }
.LBB2_1:
0x12: {  	[tilespmem:s3], [sflag:$0x7] =	stream.linear.gather [hbm4b:s6+s3], $0x2000, $0x38;
	[tilespmem:$0x13000] =	vst v63  }
0x13: {  	_ =	swait.ge [sflag:s10], $0x2000  }
0x14: {  	[sflag:s10] =	ssyncset.done $0x0  }
0x15: {  	[sflag:s10] =	ssyncadd.s32 $0xFFFFE000  }
0x16: {  	[tilespmem:s12], [sflag:$0x1] =	stream.indirect.gather [hbm4b:s4+s11], $0x80, s3, s11, $0xb8;
	[tilespmem:$0x13000] =	vst v63  }
0x17: {  	_ = 	snop  }
0x18: {  	[tilespmem:s13], [sflag:$0x3] =	stream.indirect.gather [hbm4b:s1+s11], $0x80, s3, s11, $0xb8;
	[tilespmem:$0x13000] =	vst v63  }
0x19: {  	_ = 	snop  }
0x1a: {  	[tilespmem:s14], [sflag:$0x5] =	stream.indirect.gather [hbm4b:s5+s11], $0x10, s3, s11, $0xb8;
	[tilespmem:$0x13000] =	vst v63  }
0x1b: {  	s25 =	simm.s32 $0x80  }
0x1c: {  	[tilespmem:s15], [sflag:$0x2] =	stream.indirect.gather [hbm4b:s4+s11], $0x80, s25, s11, $0xb8;
	[tilespmem:$0x13000] =	vst v63  }
0x1d: {  	_ = 	snop  }
0x1e: {  	[tilespmem:s16], [sflag:$0x4] =	stream.indirect.gather [hbm4b:s1+s11], $0x80, s25, s11, $0xb8;
	[tilespmem:$0x13000] =	vst v63  }
0x1f: {  	_ = 	snop  }
0x20: {  	[tilespmem:s17], [sflag:$0x6] =	stream.indirect.gather [hbm4b:s5+s11], $0x10, s25, s11, $0xb8;
	[tilespmem:$0x13000] =	vst v63  }
0x21: {  	_ =	swait.ge [sflag:s18], $0x4000  }
0x22: {  	[sflag:s18] =	ssyncset.done $0x0  }
0x23: {  	s29 =	sadd.s32 $0x0, s9;
	[sflag:s18] =	ssyncadd.s32 $0xFFFFC000  }
0x24: {  	[hbm4b:s29+s3] =	stream.linear.scatter [tilespmem:s12], [sflag:$0x7], $0x4000, $0x38;
	[tilespmem:$0x13000] =	vst v63  }
0x25: {  	_ =	swait.ge [sflag:s10], $0x4000  }
0x26: {  	[sflag:s10] =	ssyncset.done $0x0  }
0x27: {  	[sflag:s10] =	ssyncadd.s32 $0xFFFFC000  }
0x28: {  	_ =	swait.ge [sflag:s19], $0x4000  }
0x29: {  	s26 =	rddreg [dreg:$0x3];
	[sflag:s19] =	ssyncset.done $0x0  }
0x2a: {  	[sflag:s19] =	ssyncadd.s32 $0xFFFFC000;
	s26 =	sadd.s32 $0x0, s26  }
0x2b: {  	[hbm4b:s26+s3] =	stream.linear.scatter [tilespmem:s13], [sflag:$0x7], $0x4000, $0x38;
	[tilespmem:$0x13000] =	vst v63  }
0x2c: {  	_ =	swait.ge [sflag:s10], $0x4000  }
0x2d: {  	[sflag:s10] =	ssyncset.done $0x0  }
0x2e: {  	[sflag:s10] =	ssyncadd.s32 $0xFFFFC000  }
0x2f: {  	_ =	swait.ge [sflag:s20], $0x800  }
0x30: {  	[sflag:s20] =	ssyncset.done $0x0  }
0x31: {  	[sflag:s20] =	ssyncadd.s32 $0xFFFFF800  }
0x32: {  	[hbm4b:s8+s3] =	stream.linear.scatter [tilespmem:s14], [sflag:$0x7], $0x800, $0x38;
	[tilespmem:$0x13000] =	vst v63  }
0x33: {  	_ =	swait.ge [sflag:s10], $0x800  }
0x34: {  	[sflag:s10] =	ssyncset.done $0x0  }
0x35: {  	[sflag:s10] =	ssyncadd.s32 $0xFFFFF800  }
0x36: {  	_ =	swait.ge [sflag:s21], $0x4000  }
0x37: {  	[sflag:s21] =	ssyncset.done $0x0  }
0x38: {  	s25 =	sadd.s32 $0x800, s29;
	[sflag:s21] =	ssyncadd.s32 $0xFFFFC000  }
0x39: {  	[hbm4b:s25+s3] =	stream.linear.scatter [tilespmem:s15], [sflag:$0x7], $0x4000, $0x38;
	[tilespmem:$0x13000] =	vst v63  }
0x3a: {  	_ =	swait.ge [sflag:s10], $0x4000  }
0x3b: {  	[sflag:s10] =	ssyncset.done $0x0  }
0x3c: {  	[sflag:s10] =	ssyncadd.s32 $0xFFFFC000  }
0x3d: {  	_ =	swait.ge [sflag:s22], $0x4000  }
0x3e: {  	[sflag:s22] =	ssyncset.done $0x0  }
0x3f: {  	s30 =	sadd.s32 $0x800, s26;
	[sflag:s22] =	ssyncadd.s32 $0xFFFFC000  }
0x40: {  	[hbm4b:s30+s3] =	stream.linear.scatter [tilespmem:s16], [sflag:$0x7], $0x4000, $0x38;
	[tilespmem:$0x13000] =	vst v63  }
0x41: {  	_ =	swait.ge [sflag:s10], $0x4000  }
0x42: {  	[sflag:s10] =	ssyncset.done $0x0  }
0x43: {  	[sflag:s10] =	ssyncadd.s32 $0xFFFFC000  }
0x44: {  	_ =	swait.ge [sflag:s23], $0x800  }
0x45: {  	[sflag:s23] =	ssyncset.done $0x0  }
0x46: {  	s31 =	sadd.s32 $0x100, s8;
	[sflag:s23] =	ssyncadd.s32 $0xFFFFF800  }
0x47: {  	[hbm4b:s31+s3] =	stream.linear.scatter [tilespmem:s17], [sflag:$0x7], $0x800, $0x38;
	[tilespmem:$0x13000] =	vst v63  }
0x48: {  	s28 =	smov.u32 s8;
	_ =	swait.ge [sflag:s10], $0x800  }
0x49: {  	s26 =	simm.s32 $0x0;
	s25 =	simm.s32 $0x1000;
	[sflag:s10] =	ssyncset.done $0x0  }
.LBB2_2:
0x4a: {  	[sflag:s10] =	ssyncadd.s32 $0xFFFFF800;
	s26 =	sadd.s32 $0x100, s26  }
0x4b: {  	[tilespmem:s12], [sflag:$0x1] =	stream.indirect.gather [hbm4b:s4+s11], $0x80, s26, s11, $0xb8;
	[tilespmem:$0x13000] =	vst v63  }
0x4c: {  	_ = 	snop  }
0x4d: {  	[tilespmem:s13], [sflag:$0x3] =	stream.indirect.gather [hbm4b:s1+s11], $0x80, s26, s11, $0xb8;
	[tilespmem:$0x13000] =	vst v63  }
0x4e: {  	_ = 	snop  }
0x4f: {  	[tilespmem:s14], [sflag:$0x5] =	stream.indirect.gather [hbm4b:s5+s11], $0x10, s26, s11, $0xb8;
	[tilespmem:$0x13000] =	vst v63  }
0x50: {  	s30 =	sadd.s32 $0x80, s26  }
0x51: {  	[tilespmem:s15], [sflag:$0x2] =	stream.indirect.gather [hbm4b:s4+s11], $0x80, s30, s11, $0xb8;
	[tilespmem:$0x13000] =	vst v63  }
0x52: {  	_ = 	snop  }
0x53: {  	[tilespmem:s16], [sflag:$0x4] =	stream.indirect.gather [hbm4b:s1+s11], $0x80, s30, s11, $0xb8;
	[tilespmem:$0x13000] =	vst v63  }
0x54: {  	_ = 	snop  }
0x55: {  	[tilespmem:s17], [sflag:$0x6] =	stream.indirect.gather [hbm4b:s5+s11], $0x10, s30, s11, $0xb8;
	[tilespmem:$0x13000] =	vst v63  }
0x56: {  	_ =	swait.ge [sflag:s18], $0x4000  }
0x57: {  	s29 =	smov.u32 s25;
	[sflag:s18] =	ssyncset.done $0x0  }
0x58: {  	s30 =	sadd.s32 s29, s9;
	[sflag:s18] =	ssyncadd.s32 $0xFFFFC000  }
0x59: {  	[hbm4b:s30+s3] =	stream.linear.scatter [tilespmem:s12], [sflag:$0x7], $0x4000, $0x38;
	[tilespmem:$0x13000] =	vst v63  }
0x5a: {  	_ =	swait.ge [sflag:s10], $0x4000  }
0x5b: {  	[sflag:s10] =	ssyncset.done $0x0  }
0x5c: {  	[sflag:s10] =	ssyncadd.s32 $0xFFFFC000  }
0x5d: {  	_ =	swait.ge [sflag:s19], $0x4000  }
0x5e: {  	s31 =	rddreg [dreg:$0x3];
	[sflag:s19] =	ssyncset.done $0x0  }
0x5f: {  	[sflag:s19] =	ssyncadd.s32 $0xFFFFC000;
	s29 =	sadd.s32 s29, s31  }
0x60: {  	[hbm4b:s29+s3] =	stream.linear.scatter [tilespmem:s13], [sflag:$0x7], $0x4000, $0x38;
	[tilespmem:$0x13000] =	vst v63  }
0x61: {  	_ =	swait.ge [sflag:s10], $0x4000  }
0x62: {  	[sflag:s10] =	ssyncset.done $0x0  }
0x63: {  	[sflag:s10] =	ssyncadd.s32 $0xFFFFC000  }
0x64: {  	_ =	swait.ge [sflag:s20], $0x800  }
0x65: {  	[sflag:s20] =	ssyncset.done $0x0  }
0x66: {  	s28 =	sadd.s32 $0x200, s28;
	[sflag:s20] =	ssyncadd.s32 $0xFFFFF800  }
0x67: {  	[hbm4b:s28+s3] =	stream.linear.scatter [tilespmem:s14], [sflag:$0x7], $0x800, $0x38;
	[tilespmem:$0x13000] =	vst v63  }
0x68: {  	_ =	swait.ge [sflag:s10], $0x800  }
0x69: {  	[sflag:s10] =	ssyncset.done $0x0  }
0x6a: {  	[sflag:s10] =	ssyncadd.s32 $0xFFFFF800  }
0x6b: {  	_ =	swait.ge [sflag:s21], $0x4000  }
0x6c: {  	[sflag:s21] =	ssyncset.done $0x0  }
0x6d: {  	s30 =	sadd.s32 $0x800, s30;
	[sflag:s21] =	ssyncadd.s32 $0xFFFFC000  }
0x6e: {  	[hbm4b:s30+s3] =	stream.linear.scatter [tilespmem:s15], [sflag:$0x7], $0x4000, $0x38;
	[tilespmem:$0x13000] =	vst v63  }
0x6f: {  	_ =	swait.ge [sflag:s10], $0x4000  }
0x70: {  	[sflag:s10] =	ssyncset.done $0x0  }
0x71: {  	[sflag:s10] =	ssyncadd.s32 $0xFFFFC000  }
0x72: {  	_ =	swait.ge [sflag:s22], $0x4000  }
0x73: {  	[sflag:s22] =	ssyncset.done $0x0  }
0x74: {  	s29 =	sadd.s32 $0x800, s29;
	[sflag:s22] =	ssyncadd.s32 $0xFFFFC000  }
0x75: {  	[hbm4b:s29+s3] =	stream.linear.scatter [tilespmem:s16], [sflag:$0x7], $0x4000, $0x38;
	[tilespmem:$0x13000] =	vst v63  }
0x76: {  	_ =	swait.ge [sflag:s10], $0x4000  }
0x77: {  	[sflag:s10] =	ssyncset.done $0x0  }
0x78: {  	[sflag:s10] =	ssyncadd.s32 $0xFFFFC000  }
0x79: {  	p0 =	sne.s32 s25, $0x1F000;
	_ =	swait.ge [sflag:s23], $0x800  }
.Ltmp0:
0x7a: {  	[sflag:s23] =	ssyncset.done $0x0;
	(pc) =	sbr.rel @p0 .LBB2_2-.Ltmp0, $4  }
0x7b: {  	s31 =	sadd.s32 $0x100, s28;
	[sflag:s23] =	ssyncadd.s32 $0xFFFFF800  }
0x7c: {  	[hbm4b:s31+s3] =	stream.linear.scatter [tilespmem:s17], [sflag:$0x7], $0x800, $0x38;
	[tilespmem:$0x13000] =	vst v63  }
0x7d: {  	_ =	swait.ge [sflag:s10], $0x800  }
0x7e: {  	s25 =	sadd.s32 $0x1000, s25;
	[sflag:s10] =	ssyncset.done $0x0  }
0x7f: {  	s24 =	sadd.s32 $0x1, s24  }
0x80: {  	p0 =	sne.s32 s24, s7  }
.Ltmp1:
0x81: {  	_ = 	snop;
	(pc) =	sbr.rel @p0 .LBB2_1-.Ltmp1, $2  }
0x82: {  	_ =	sdelay $0x2  }
0x83: {  	[sflag:s10] =	ssyncadd.s32 $0xFFFFF800  }
0x84: {  	_ =	sfence.sel $0x180000  }
0x85: {  	[bflag:$0x0] =	sbarrier.arrive $0xFFFF  }
0x86: {  	p0 =	sne.s32 s2, $0x0;
	_ =	strace $0x90000047  }
0x87: {  	s0 =	sadd.s32 @!p0 $0x100000, s0;
	[bflag:$0x2] =	sbarrier.arrive $0xFFFF  }
0x88: {  	[sflag:s0] =	ssyncadd.tile.s32 @!p0 $0x1;
	_ =	shalt  }
.Lfunc_end2:
_tile_overlayer_lowered:
.L_overlay_start_2:
0x89: {  	(tag) =	ssettag $0x2  }
0x8a: {  	s0 =	rddreg [dreg:$0x0];
	s2 =	stileid.u32  }
0x8b: {  	s1 =	rddreg [dreg:$0x1];
	p0 =	sne.s32 s2, $0x0  }
0x8c: {  	s3 =	rddreg [dreg:$0x2];
	[bflag:$0x3] =	sbarrier.arrive $0xFFFF;
	s2 =	simm.s32 @!p0 $0x1C07  }
0x8d: {  	[timem:s3], [sflag:s2] =	dma.local @!p0 [hbm:s0], s1  }
0x8e: {  	s0 =	simm.s32 @!p0 $0x7  }
0x8f: {  	_ =	swait.ge @!p0 [sflag:s0], s1  }
0x90: {  	s1 =	ssub.s32 @!p0 $0x0, s1;
	[sflag:s0] =	ssyncset.done @!p0 $0x0  }
0x91: {  	[sflag:s0] =	ssyncadd.s32 @!p0 s1  }
0x92: {  	[bflag:$0x3] =	sbarrier.arrive $0xFFFF  }
0x93: {  	_ =	shalt  }

</sc_bundles>
